<compile_context>
chip_gen: v7x
topology: tpu7x:2x2x1
jax: 0.10.2.dev20260603
libtpu: 0.0.44.dev20260713+nightly
codegen_flags: <defaults>
</compile_context>

<pallas_src>
import jax
import jax.numpy as jnp
from jax import lax
from jax.experimental import pallas as pl
from jax.experimental.pallas import tpu as pltpu, tpu_sc as plsc

NC = 2
NS = 16
NW = NC * NS
B_TOTAL = 16384
DIM = 64
NUM_ENTS_C = 1000000
NUM_RELS_C = 1000
BPW = B_TOTAL // NW
CHUNK = 128
NCHUNK = BPW // CHUNK
GROUPS = BPW // 16
BLK = 32768


def _proj_body(wt_ref, tab_ref, rel_ref, b_ref, o0_ref, o1_ref,
               r0_ref, r1_ref):
    res = jnp.dot(wt_ref[...], tab_ref[...],
                  preferred_element_type=jnp.float32)
    o0_ref[...] = res[0]
    o1_ref[...] = res[1]

    @pl.when(pl.program_id(0) == 0)
    def _():
        rp = jnp.dot(wt_ref[...], rel_ref[...],
                     preferred_element_type=jnp.float32) + b_ref[...]
        r0_ref[...] = rp[0]
        r1_ref[...] = rp[1]


def _sc_body(e0_h, e1_h, r0_h, r1_h, head_h, rel_h, tail_h, o0_h, o1_h,
             idx_h, idx_r, idx_t, hp0, hp1, tp0, tp1, rp0, rp1,
             ov0, ov1, sem):
    c = lax.axis_index("c")
    s = lax.axis_index("s")
    wid = s * NC + c
    base = wid * BPW

    pltpu.sync_copy(head_h.at[wid], idx_h)
    pltpu.sync_copy(rel_h.at[wid], idx_r)
    pltpu.sync_copy(tail_h.at[wid], idx_t)

    cps = []
    for k in range(NCHUNK):
        sl = pl.ds(k * CHUNK, CHUNK)
        cps.append(pltpu.async_copy(e0_h.at[idx_h.at[k]], hp0.at[sl], sem))
        cps.append(pltpu.async_copy(e1_h.at[idx_h.at[k]], hp1.at[sl], sem))
        cps.append(pltpu.async_copy(e0_h.at[idx_t.at[k]], tp0.at[sl], sem))
        cps.append(pltpu.async_copy(e1_h.at[idx_t.at[k]], tp1.at[sl], sem))
        cps.append(pltpu.async_copy(r0_h.at[idx_r.at[k]], rp0.at[sl], sem))
        cps.append(pltpu.async_copy(r1_h.at[idx_r.at[k]], rp1.at[sl], sem))

    def group_step(g, carry):
        sl = pl.ds(pl.multiple_of(g * 16, 16), 16)
        a0 = hp0[sl] + rp0[sl] - tp0[sl]
        a1 = hp1[sl] + rp1[sl] - tp1[sl]
        ov0[sl] = 1.0 / (1.0 + jnp.exp(-a0))
        ov1[sl] = 1.0 / (1.0 + jnp.exp(-a1))
        return carry

    for k in range(NCHUNK):
        for cp in cps[6 * k:6 * (k + 1)]:
            cp.wait()
        lax.fori_loop(k * (CHUNK // 16), (k + 1) * (CHUNK // 16),
                      group_step, 0)
        sl = pl.ds(k * CHUNK, CHUNK)
        pltpu.sync_copy(ov0.at[sl], o0_h.at[pl.ds(base + k * CHUNK, CHUNK)])
        pltpu.sync_copy(ov1.at[sl], o1_h.at[pl.ds(base + k * CHUNK, CHUNK)])


@jax.jit
def _run(head3, rel3, tail3, ent_emb, rel_emb, lin_W, lin_b):
    wt = lin_W.T
    ent_t = ent_emb.T
    rel_t = rel_emb.T
    b2 = lin_b.reshape(2, 1)

    grid = (NUM_ENTS_C + BLK - 1) // BLK
    e0, e1, r0, r1 = pl.pallas_call(
        _proj_body,
        grid=(grid,),
        in_specs=[
            pl.BlockSpec((2, DIM), lambda i: (0, 0)),
            pl.BlockSpec((DIM, BLK), lambda i: (0, i)),
            pl.BlockSpec((DIM, NUM_RELS_C), lambda i: (0, 0)),
            pl.BlockSpec((2, 1), lambda i: (0, 0)),
        ],
        out_specs=[
            pl.BlockSpec((BLK,), lambda i: (i,)),
            pl.BlockSpec((BLK,), lambda i: (i,)),
            pl.BlockSpec((NUM_RELS_C,), lambda i: (0,)),
            pl.BlockSpec((NUM_RELS_C,), lambda i: (0,)),
        ],
        out_shape=[
            jax.ShapeDtypeStruct((NUM_ENTS_C,), jnp.float32),
            jax.ShapeDtypeStruct((NUM_ENTS_C,), jnp.float32),
            jax.ShapeDtypeStruct((NUM_RELS_C,), jnp.float32),
            jax.ShapeDtypeStruct((NUM_RELS_C,), jnp.float32),
        ],
        compiler_params=pltpu.CompilerParams(vmem_limit_bytes=60000000),
    )(wt, ent_t, rel_t, b2)

    mesh = plsc.VectorSubcoreMesh(core_axis_name="c", subcore_axis_name="s")
    f = pl.kernel(
        _sc_body,
        out_type=(
            jax.ShapeDtypeStruct((B_TOTAL,), jnp.float32),
            jax.ShapeDtypeStruct((B_TOTAL,), jnp.float32),
        ),
        mesh=mesh,
        compiler_params=pltpu.CompilerParams(needs_layout_passes=False),
        scratch_types=[
            pltpu.VMEM((NCHUNK, CHUNK), jnp.int32),
            pltpu.VMEM((NCHUNK, CHUNK), jnp.int32),
            pltpu.VMEM((NCHUNK, CHUNK), jnp.int32),
            pltpu.VMEM((BPW,), jnp.float32),
            pltpu.VMEM((BPW,), jnp.float32),
            pltpu.VMEM((BPW,), jnp.float32),
            pltpu.VMEM((BPW,), jnp.float32),
            pltpu.VMEM((BPW,), jnp.float32),
            pltpu.VMEM((BPW,), jnp.float32),
            pltpu.VMEM((BPW,), jnp.float32),
            pltpu.VMEM((BPW,), jnp.float32),
            pltpu.SemaphoreType.DMA,
        ],
        name="transe_sc",
    )
    o0, o1 = f(e0, e1, r0, r1, head3, rel3, tail3)
    return jnp.stack([o0, o1], axis=1)


def kernel(head, rel, tail, ent_emb, rel_emb, lin_W, lin_b):
    head3 = head.astype(jnp.int32).reshape(NW, NCHUNK, CHUNK)
    rel3 = rel.astype(jnp.int32).reshape(NW, NCHUNK, CHUNK)
    tail3 = tail.astype(jnp.int32).reshape(NW, NCHUNK, CHUNK)
    return _run(head3, rel3, tail3, ent_emb, rel_emb, lin_W, lin_b)

# --- scband reference (transcript-rebuilt; emitter-appended) ---
"""Pipeline reference for scband-trans-model-45148696216020 (READ-ONLY COPY).

The authoritative reference and input builder live on the scoring server;
editing this copy changes nothing except your own understanding.
"""

import jax, jax.numpy as jnp
import numpy as np

NUM_ENTS = 1000000
NUM_RELS = 1000
DIM = 64
B = 16384

def setup_inputs(seed: int = 0) -> dict:
    key = jax.random.key(seed)
    ks = jax.random.split(key, 7)
    head = jax.random.randint(ks[0], (B,), 0, NUM_ENTS)
    rel = jax.random.randint(ks[1], (B,), 0, NUM_RELS)
    tail = jax.random.randint(ks[2], (B,), 0, NUM_ENTS)
    ent_emb = jax.random.normal(ks[3], (NUM_ENTS, DIM), dtype=jnp.float32) * 0.02
    rel_emb = jax.random.normal(ks[4], (NUM_RELS, DIM), dtype=jnp.float32) * 0.02
    lin_W = jax.random.normal(ks[5], (DIM, 2), dtype=jnp.float32) * (1.0 / np.sqrt(DIM))
    lin_b = jnp.zeros((2,), dtype=jnp.float32)
    return {"head": head, "rel": rel, "tail": tail, "ent_emb": ent_emb, "rel_emb": rel_emb, "lin_W": lin_W, "lin_b": lin_b}

def reference(head, rel, tail, ent_emb, rel_emb, lin_W, lin_b):
    # TransE scoring embedding: o = h + r - t (out_dim = DIM)
    h = jnp.take(ent_emb, head, axis=0)
    r = jnp.take(rel_emb, rel, axis=0)
    t = jnp.take(ent_emb, tail, axis=0)
    o_emb = h + r - t
    logits = o_emb @ lin_W + lin_b
    # config.sigmoid = True
    return jax.nn.sigmoid(logits)

if __name__ == "__main__":
    import jax
    _d = setup_inputs()
    print(jax.jit(kernel)(*tuple(_d.values())))

</pallas_src>

<mosaic_0001>
#map = affine_map<(d0, d1) -> (0)>
#map1 = affine_map<(d0, d1) -> (0, 0, 0)>
module attributes {stable_mosaic.version = 14 : i64} {
  func.func @transe_sc(%arg0: i32, %arg1: i32, %arg2: memref<1000000xf32, #tpu.memory_space<hbm>>, %arg3: memref<1000000xf32, #tpu.memory_space<hbm>>, %arg4: memref<1000xf32, #tpu.memory_space<hbm>>, %arg5: memref<1000xf32, #tpu.memory_space<hbm>>, %arg6: memref<32x4x128xi32, #tpu.memory_space<hbm>>, %arg7: memref<32x4x128xi32, #tpu.memory_space<hbm>>, %arg8: memref<32x4x128xi32, #tpu.memory_space<hbm>>, %arg9: memref<16384xf32, #tpu.memory_space<hbm>>, %arg10: memref<16384xf32, #tpu.memory_space<hbm>>, %arg11: memref<4x128xi32, #tpu.memory_space<vmem>>, %arg12: memref<4x128xi32, #tpu.memory_space<vmem>>, %arg13: memref<4x128xi32, #tpu.memory_space<vmem>>, %arg14: memref<512xf32, #tpu.memory_space<vmem>>, %arg15: memref<512xf32, #tpu.memory_space<vmem>>, %arg16: memref<512xf32, #tpu.memory_space<vmem>>, %arg17: memref<512xf32, #tpu.memory_space<vmem>>, %arg18: memref<512xf32, #tpu.memory_space<vmem>>, %arg19: memref<512xf32, #tpu.memory_space<vmem>>, %arg20: memref<512xf32, #tpu.memory_space<vmem>>, %arg21: memref<512xf32, #tpu.memory_space<vmem>>, %arg22: memref<!tpu.dma_semaphore, #tpu.memory_space<semaphore_mem>>) attributes {dimension_semantics = [#tpu.dimension_semantics<core_parallel>, #tpu.dimension_semantics<subcore_parallel>], iteration_bounds = array<i64: 2, 16>, scalar_prefetch = 0 : i64, scratch_operands = 12 : i64, tpu.core_type = #tpu.core_type<sc_vector_subcore>, window_params = [{transform_indices = #map}, {transform_indices = #map}, {transform_indices = #map}, {transform_indices = #map}, {transform_indices = #map1}, {transform_indices = #map1}, {transform_indices = #map1}, {transform_indices = #map}, {transform_indices = #map}]} {
    %mul3A = arith.constant 2 : i32
    %mul3A_0 = arith.muli %arg1, %mul3A : i32
    %add3A = arith.addi %mul3A_0, %arg0 : i32
    %mul3A_1 = arith.constant 512 : i32
    %mul3A_2 = arith.muli %add3A, %mul3A_1 : i32
    "tpu.region"() ({
      %run_scoped3A = tpu.sem_alloc : memref<!tpu.dma_semaphore, #tpu.memory_space<semaphore_mem>>
      %dma_start3A_424 = arith.constant 0 : i32
      %dma_start3A_425 = arith.constant 0 : i32
      %dma_start3A_426 = tpu.memref_slice %arg6[%add3A, %dma_start3A_424, %dma_start3A_425] : memref<32x4x128xi32, #tpu.memory_space<hbm>> -> memref<1x4x128xi32, #tpu.memory_space<hbm>>
      %dma_start3A_427 = tpu.memref_squeeze %dma_start3A_426 : memref<1x4x128xi32, #tpu.memory_space<hbm>> -> memref<4x128xi32, #tpu.memory_space<hbm>>
      %dma_start3A_428 = arith.constant 0 : i32
      %dma_start3A_429 = arith.constant 0 : i32
      %dma_start3A_430 = tpu.memref_slice %arg6[%add3A, %dma_start3A_428, %dma_start3A_429] : memref<32x4x128xi32, #tpu.memory_space<hbm>> -> memref<1x4x128xi32, #tpu.memory_space<hbm>>
      %dma_start3A_431 = tpu.memref_squeeze %dma_start3A_430 : memref<1x4x128xi32, #tpu.memory_space<hbm>> -> memref<4x128xi32, #tpu.memory_space<hbm>>
      tpu.enqueue_dma source(%dma_start3A_431 : memref<4x128xi32, #tpu.memory_space<hbm>>) target(%arg11 : memref<4x128xi32, #tpu.memory_space<vmem>>) target_semaphore(%run_scoped3A : memref<!tpu.dma_semaphore, #tpu.memory_space<semaphore_mem>>)
      %dma_wait3A_432 = arith.constant 0 : i32
      %dma_wait3A_433 = arith.constant 0 : i32
      %dma_wait3A_434 = tpu.memref_slice %arg6[%add3A, %dma_wait3A_432, %dma_wait3A_433] : memref<32x4x128xi32, #tpu.memory_space<hbm>> -> memref<1x4x128xi32, #tpu.memory_space<hbm>>
      %dma_wait3A_435 = tpu.memref_squeeze %dma_wait3A_434 : memref<1x4x128xi32, #tpu.memory_space<hbm>> -> memref<4x128xi32, #tpu.memory_space<hbm>>
      %dma_wait3A_436 = arith.constant 0 : i32
      %dma_wait3A_437 = arith.constant 0 : i32
      %dma_wait3A_438 = tpu.memref_slice %arg6[%add3A, %dma_wait3A_436, %dma_wait3A_437] : memref<32x4x128xi32, #tpu.memory_space<hbm>> -> memref<1x4x128xi32, #tpu.memory_space<hbm>>
      %dma_wait3A_439 = tpu.memref_squeeze %dma_wait3A_438 : memref<1x4x128xi32, #tpu.memory_space<hbm>> -> memref<4x128xi32, #tpu.memory_space<hbm>>
      tpu.wait_dma2 semaphore(%run_scoped3A : memref<!tpu.dma_semaphore, #tpu.memory_space<semaphore_mem>>) src(%dma_wait3A_439 : memref<4x128xi32, #tpu.memory_space<hbm>>) dst(%arg11 : memref<4x128xi32, #tpu.memory_space<vmem>>)
      tpu.yield
    }) : () -> ()
    "tpu.region"() ({
      %run_scoped3A = tpu.sem_alloc : memref<!tpu.dma_semaphore, #tpu.memory_space<semaphore_mem>>
      %dma_start3A_424 = arith.constant 0 : i32
      %dma_start3A_425 = arith.constant 0 : i32
      %dma_start3A_426 = tpu.memref_slice %arg7[%add3A, %dma_start3A_424, %dma_start3A_425] : memref<32x4x128xi32, #tpu.memory_space<hbm>> -> memref<1x4x128xi32, #tpu.memory_space<hbm>>
      %dma_start3A_427 = tpu.memref_squeeze %dma_start3A_426 : memref<1x4x128xi32, #tpu.memory_space<hbm>> -> memref<4x128xi32, #tpu.memory_space<hbm>>
      %dma_start3A_428 = arith.constant 0 : i32
      %dma_start3A_429 = arith.constant 0 : i32
      %dma_start3A_430 = tpu.memref_slice %arg7[%add3A, %dma_start3A_428, %dma_start3A_429] : memref<32x4x128xi32, #tpu.memory_space<hbm>> -> memref<1x4x128xi32, #tpu.memory_space<hbm>>
      %dma_start3A_431 = tpu.memref_squeeze %dma_start3A_430 : memref<1x4x128xi32, #tpu.memory_space<hbm>> -> memref<4x128xi32, #tpu.memory_space<hbm>>
      tpu.enqueue_dma source(%dma_start3A_431 : memref<4x128xi32, #tpu.memory_space<hbm>>) target(%arg12 : memref<4x128xi32, #tpu.memory_space<vmem>>) target_semaphore(%run_scoped3A : memref<!tpu.dma_semaphore, #tpu.memory_space<semaphore_mem>>)
      %dma_wait3A_432 = arith.constant 0 : i32
      %dma_wait3A_433 = arith.constant 0 : i32
      %dma_wait3A_434 = tpu.memref_slice %arg7[%add3A, %dma_wait3A_432, %dma_wait3A_433] : memref<32x4x128xi32, #tpu.memory_space<hbm>> -> memref<1x4x128xi32, #tpu.memory_space<hbm>>
      %dma_wait3A_435 = tpu.memref_squeeze %dma_wait3A_434 : memref<1x4x128xi32, #tpu.memory_space<hbm>> -> memref<4x128xi32, #tpu.memory_space<hbm>>
      %dma_wait3A_436 = arith.constant 0 : i32
      %dma_wait3A_437 = arith.constant 0 : i32
      %dma_wait3A_438 = tpu.memref_slice %arg7[%add3A, %dma_wait3A_436, %dma_wait3A_437] : memref<32x4x128xi32, #tpu.memory_space<hbm>> -> memref<1x4x128xi32, #tpu.memory_space<hbm>>
      %dma_wait3A_439 = tpu.memref_squeeze %dma_wait3A_438 : memref<1x4x128xi32, #tpu.memory_space<hbm>> -> memref<4x128xi32, #tpu.memory_space<hbm>>
      tpu.wait_dma2 semaphore(%run_scoped3A : memref<!tpu.dma_semaphore, #tpu.memory_space<semaphore_mem>>) src(%dma_wait3A_439 : memref<4x128xi32, #tpu.memory_space<hbm>>) dst(%arg12 : memref<4x128xi32, #tpu.memory_space<vmem>>)
      tpu.yield
    }) : () -> ()
    "tpu.region"() ({
      %run_scoped3A = tpu.sem_alloc : memref<!tpu.dma_semaphore, #tpu.memory_space<semaphore_mem>>
      %dma_start3A_424 = arith.constant 0 : i32
      %dma_start3A_425 = arith.constant 0 : i32
      %dma_start3A_426 = tpu.memref_slice %arg8[%add3A, %dma_start3A_424, %dma_start3A_425] : memref<32x4x128xi32, #tpu.memory_space<hbm>> -> memref<1x4x128xi32, #tpu.memory_space<hbm>>
      %dma_start3A_427 = tpu.memref_squeeze %dma_start3A_426 : memref<1x4x128xi32, #tpu.memory_space<hbm>> -> memref<4x128xi32, #tpu.memory_space<hbm>>
      %dma_start3A_428 = arith.constant 0 : i32
      %dma_start3A_429 = arith.constant 0 : i32
      %dma_start3A_430 = tpu.memref_slice %arg8[%add3A, %dma_start3A_428, %dma_start3A_429] : memref<32x4x128xi32, #tpu.memory_space<hbm>> -> memref<1x4x128xi32, #tpu.memory_space<hbm>>
      %dma_start3A_431 = tpu.memref_squeeze %dma_start3A_430 : memref<1x4x128xi32, #tpu.memory_space<hbm>> -> memref<4x128xi32, #tpu.memory_space<hbm>>
      tpu.enqueue_dma source(%dma_start3A_431 : memref<4x128xi32, #tpu.memory_space<hbm>>) target(%arg13 : memref<4x128xi32, #tpu.memory_space<vmem>>) target_semaphore(%run_scoped3A : memref<!tpu.dma_semaphore, #tpu.memory_space<semaphore_mem>>)
      %dma_wait3A_432 = arith.constant 0 : i32
      %dma_wait3A_433 = arith.constant 0 : i32
      %dma_wait3A_434 = tpu.memref_slice %arg8[%add3A, %dma_wait3A_432, %dma_wait3A_433] : memref<32x4x128xi32, #tpu.memory_space<hbm>> -> memref<1x4x128xi32, #tpu.memory_space<hbm>>
      %dma_wait3A_435 = tpu.memref_squeeze %dma_wait3A_434 : memref<1x4x128xi32, #tpu.memory_space<hbm>> -> memref<4x128xi32, #tpu.memory_space<hbm>>
      %dma_wait3A_436 = arith.constant 0 : i32
      %dma_wait3A_437 = arith.constant 0 : i32
      %dma_wait3A_438 = tpu.memref_slice %arg8[%add3A, %dma_wait3A_436, %dma_wait3A_437] : memref<32x4x128xi32, #tpu.memory_space<hbm>> -> memref<1x4x128xi32, #tpu.memory_space<hbm>>
      %dma_wait3A_439 = tpu.memref_squeeze %dma_wait3A_438 : memref<1x4x128xi32, #tpu.memory_space<hbm>> -> memref<4x128xi32, #tpu.memory_space<hbm>>
      tpu.wait_dma2 semaphore(%run_scoped3A : memref<!tpu.dma_semaphore, #tpu.memory_space<semaphore_mem>>) src(%dma_wait3A_439 : memref<4x128xi32, #tpu.memory_space<hbm>>) dst(%arg13 : memref<4x128xi32, #tpu.memory_space<vmem>>)
      tpu.yield
    }) : () -> ()
    %dma_start3A = arith.constant 0 : i32
    %dma_start3A_3 = arith.constant 0 : i32
    %dma_start3A_4 = tpu.memref_slice %arg14[%dma_start3A_3] : memref<512xf32, #tpu.memory_space<vmem>> -> memref<128xf32, #tpu.memory_space<vmem>>
    %dma_start3A_5 = arith.constant 0 : i32
    %dma_start3A_6 = tpu.memref_slice %arg11[%dma_start3A, %dma_start3A_5] : memref<4x128xi32, #tpu.memory_space<vmem>> -> memref<1x128xi32, #tpu.memory_space<vmem>>
    %dma_start3A_7 = tpu.memref_squeeze %dma_start3A_6 : memref<1x128xi32, #tpu.memory_space<vmem>> -> memref<128xi32, #tpu.memory_space<vmem>>
    %dma_start3A_8 = arith.constant 0 : i32
    %dma_start3A_9 = tpu.memref_slice %arg2[%dma_start3A_8] : memref<1000000xf32, #tpu.memory_space<hbm>> -> memref<1000000xf32, #tpu.memory_space<hbm>>
    tpu.enqueue_indirect_dma source(%dma_start3A_9 : memref<1000000xf32, #tpu.memory_space<hbm>>) target(%dma_start3A_4 : memref<128xf32, #tpu.memory_space<vmem>>) offsets(%dma_start3A_7 : memref<128xi32, #tpu.memory_space<vmem>>) semaphore(%arg22 : memref<!tpu.dma_semaphore, #tpu.memory_space<semaphore_mem>>)
    %dma_start3A_10 = arith.constant 0 : i32
    %dma_start3A_11 = arith.constant 0 : i32
    %dma_start3A_12 = tpu.memref_slice %arg15[%dma_start3A_11] : memref<512xf32, #tpu.memory_space<vmem>> -> memref<128xf32, #tpu.memory_space<vmem>>
    %dma_start3A_13 = arith.constant 0 : i32
    %dma_start3A_14 = tpu.memref_slice %arg11[%dma_start3A_10, %dma_start3A_13] : memref<4x128xi32, #tpu.memory_space<vmem>> -> memref<1x128xi32, #tpu.memory_space<vmem>>
    %dma_start3A_15 = tpu.memref_squeeze %dma_start3A_14 : memref<1x128xi32, #tpu.memory_space<vmem>> -> memref<128xi32, #tpu.memory_space<vmem>>
    %dma_start3A_16 = arith.constant 0 : i32
    %dma_start3A_17 = tpu.memref_slice %arg3[%dma_start3A_16] : memref<1000000xf32, #tpu.memory_space<hbm>> -> memref<1000000xf32, #tpu.memory_space<hbm>>
    tpu.enqueue_indirect_dma source(%dma_start3A_17 : memref<1000000xf32, #tpu.memory_space<hbm>>) target(%dma_start3A_12 : memref<128xf32, #tpu.memory_space<vmem>>) offsets(%dma_start3A_15 : memref<128xi32, #tpu.memory_space<vmem>>) semaphore(%arg22 : memref<!tpu.dma_semaphore, #tpu.memory_space<semaphore_mem>>)
    %dma_start3A_18 = arith.constant 0 : i32
    %dma_start3A_19 = arith.constant 0 : i32
    %dma_start3A_20 = tpu.memref_slice %arg16[%dma_start3A_19] : memref<512xf32, #tpu.memory_space<vmem>> -> memref<128xf32, #tpu.memory_space<vmem>>
    %dma_start3A_21 = arith.constant 0 : i32
    %dma_start3A_22 = tpu.memref_slice %arg13[%dma_start3A_18, %dma_start3A_21] : memref<4x128xi32, #tpu.memory_space<vmem>> -> memref<1x128xi32, #tpu.memory_space<vmem>>
    %dma_start3A_23 = tpu.memref_squeeze %dma_start3A_22 : memref<1x128xi32, #tpu.memory_space<vmem>> -> memref<128xi32, #tpu.memory_space<vmem>>
    %dma_start3A_24 = arith.constant 0 : i32
    %dma_start3A_25 = tpu.memref_slice %arg2[%dma_start3A_24] : memref<1000000xf32, #tpu.memory_space<hbm>> -> memref<1000000xf32, #tpu.memory_space<hbm>>
    tpu.enqueue_indirect_dma source(%dma_start3A_25 : memref<1000000xf32, #tpu.memory_space<hbm>>) target(%dma_start3A_20 : memref<128xf32, #tpu.memory_space<vmem>>) offsets(%dma_start3A_23 : memref<128xi32, #tpu.memory_space<vmem>>) semaphore(%arg22 : memref<!tpu.dma_semaphore, #tpu.memory_space<semaphore_mem>>)
    %dma_start3A_26 = arith.constant 0 : i32
    %dma_start3A_27 = arith.constant 0 : i32
    %dma_start3A_28 = tpu.memref_slice %arg17[%dma_start3A_27] : memref<512xf32, #tpu.memory_space<vmem>> -> memref<128xf32, #tpu.memory_space<vmem>>
    %dma_start3A_29 = arith.constant 0 : i32
    %dma_start3A_30 = tpu.memref_slice %arg13[%dma_start3A_26, %dma_start3A_29] : memref<4x128xi32, #tpu.memory_space<vmem>> -> memref<1x128xi32, #tpu.memory_space<vmem>>
    %dma_start3A_31 = tpu.memref_squeeze %dma_start3A_30 : memref<1x128xi32, #tpu.memory_space<vmem>> -> memref<128xi32, #tpu.memory_space<vmem>>
    %dma_start3A_32 = arith.constant 0 : i32
    %dma_start3A_33 = tpu.memref_slice %arg3[%dma_start3A_32] : memref<1000000xf32, #tpu.memory_space<hbm>> -> memref<1000000xf32, #tpu.memory_space<hbm>>
    tpu.enqueue_indirect_dma source(%dma_start3A_33 : memref<1000000xf32, #tpu.memory_space<hbm>>) target(%dma_start3A_28 : memref<128xf32, #tpu.memory_space<vmem>>) offsets(%dma_start3A_31 : memref<128xi32, #tpu.memory_space<vmem>>) semaphore(%arg22 : memref<!tpu.dma_semaphore, #tpu.memory_space<semaphore_mem>>)
    %dma_start3A_34 = arith.constant 0 : i32
    %dma_start3A_35 = arith.constant 0 : i32
    %dma_start3A_36 = tpu.memref_slice %arg18[%dma_start3A_35] : memref<512xf32, #tpu.memory_space<vmem>> -> memref<128xf32, #tpu.memory_space<vmem>>
    %dma_start3A_37 = arith.constant 0 : i32
    %dma_start3A_38 = tpu.memref_slice %arg12[%dma_start3A_34, %dma_start3A_37] : memref<4x128xi32, #tpu.memory_space<vmem>> -> memref<1x128xi32, #tpu.memory_space<vmem>>
    %dma_start3A_39 = tpu.memref_squeeze %dma_start3A_38 : memref<1x128xi32, #tpu.memory_space<vmem>> -> memref<128xi32, #tpu.memory_space<vmem>>
    %dma_start3A_40 = arith.constant 0 : i32
    %dma_start3A_41 = tpu.memref_slice %arg4[%dma_start3A_40] : memref<1000xf32, #tpu.memory_space<hbm>> -> memref<1000xf32, #tpu.memory_space<hbm>>
    tpu.enqueue_indirect_dma source(%dma_start3A_41 : memref<1000xf32, #tpu.memory_space<hbm>>) target(%dma_start3A_36 : memref<128xf32, #tpu.memory_space<vmem>>) offsets(%dma_start3A_39 : memref<128xi32, #tpu.memory_space<vmem>>) semaphore(%arg22 : memref<!tpu.dma_semaphore, #tpu.memory_space<semaphore_mem>>)
    %dma_start3A_42 = arith.constant 0 : i32
    %dma_start3A_43 = arith.constant 0 : i32
    %dma_start3A_44 = tpu.memref_slice %arg19[%dma_start3A_43] : memref<512xf32, #tpu.memory_space<vmem>> -> memref<128xf32, #tpu.memory_space<vmem>>
    %dma_start3A_45 = arith.constant 0 : i32
    %dma_start3A_46 = tpu.memref_slice %arg12[%dma_start3A_42, %dma_start3A_45] : memref<4x128xi32, #tpu.memory_space<vmem>> -> memref<1x128xi32, #tpu.memory_space<vmem>>
    %dma_start3A_47 = tpu.memref_squeeze %dma_start3A_46 : memref<1x128xi32, #tpu.memory_space<vmem>> -> memref<128xi32, #tpu.memory_space<vmem>>
    %dma_start3A_48 = arith.constant 0 : i32
    %dma_start3A_49 = tpu.memref_slice %arg5[%dma_start3A_48] : memref<1000xf32, #tpu.memory_space<hbm>> -> memref<1000xf32, #tpu.memory_space<hbm>>
    tpu.enqueue_indirect_dma source(%dma_start3A_49 : memref<1000xf32, #tpu.memory_space<hbm>>) target(%dma_start3A_44 : memref<128xf32, #tpu.memory_space<vmem>>) offsets(%dma_start3A_47 : memref<128xi32, #tpu.memory_space<vmem>>) semaphore(%arg22 : memref<!tpu.dma_semaphore, #tpu.memory_space<semaphore_mem>>)
    %dma_start3A_50 = arith.constant 1 : i32
    %dma_start3A_51 = arith.constant 128 : i32
    %dma_start3A_52 = tpu.memref_slice %arg14[%dma_start3A_51] : memref<512xf32, #tpu.memory_space<vmem>> -> memref<128xf32, #tpu.memory_space<vmem>>
    %dma_start3A_53 = arith.constant 0 : i32
    %dma_start3A_54 = tpu.memref_slice %arg11[%dma_start3A_50, %dma_start3A_53] : memref<4x128xi32, #tpu.memory_space<vmem>> -> memref<1x128xi32, #tpu.memory_space<vmem>>
    %dma_start3A_55 = tpu.memref_squeeze %dma_start3A_54 : memref<1x128xi32, #tpu.memory_space<vmem>> -> memref<128xi32, #tpu.memory_space<vmem>>
    %dma_start3A_56 = arith.constant 0 : i32
    %dma_start3A_57 = tpu.memref_slice %arg2[%dma_start3A_56] : memref<1000000xf32, #tpu.memory_space<hbm>> -> memref<1000000xf32, #tpu.memory_space<hbm>>
    tpu.enqueue_indirect_dma source(%dma_start3A_57 : memref<1000000xf32, #tpu.memory_space<hbm>>) target(%dma_start3A_52 : memref<128xf32, #tpu.memory_space<vmem>>) offsets(%dma_start3A_55 : memref<128xi32, #tpu.memory_space<vmem>>) semaphore(%arg22 : memref<!tpu.dma_semaphore, #tpu.memory_space<semaphore_mem>>)
    %dma_start3A_58 = arith.constant 1 : i32
    %dma_start3A_59 = arith.constant 128 : i32
    %dma_start3A_60 = tpu.memref_slice %arg15[%dma_start3A_59] : memref<512xf32, #tpu.memory_space<vmem>> -> memref<128xf32, #tpu.memory_space<vmem>>
    %dma_start3A_61 = arith.constant 0 : i32
    %dma_start3A_62 = tpu.memref_slice %arg11[%dma_start3A_58, %dma_start3A_61] : memref<4x128xi32, #tpu.memory_space<vmem>> -> memref<1x128xi32, #tpu.memory_space<vmem>>
    %dma_start3A_63 = tpu.memref_squeeze %dma_start3A_62 : memref<1x128xi32, #tpu.memory_space<vmem>> -> memref<128xi32, #tpu.memory_space<vmem>>
    %dma_start3A_64 = arith.constant 0 : i32
    %dma_start3A_65 = tpu.memref_slice %arg3[%dma_start3A_64] : memref<1000000xf32, #tpu.memory_space<hbm>> -> memref<1000000xf32, #tpu.memory_space<hbm>>
    tpu.enqueue_indirect_dma source(%dma_start3A_65 : memref<1000000xf32, #tpu.memory_space<hbm>>) target(%dma_start3A_60 : memref<128xf32, #tpu.memory_space<vmem>>) offsets(%dma_start3A_63 : memref<128xi32, #tpu.memory_space<vmem>>) semaphore(%arg22 : memref<!tpu.dma_semaphore, #tpu.memory_space<semaphore_mem>>)
    %dma_start3A_66 = arith.constant 1 : i32
    %dma_start3A_67 = arith.constant 128 : i32
    %dma_start3A_68 = tpu.memref_slice %arg16[%dma_start3A_67] : memref<512xf32, #tpu.memory_space<vmem>> -> memref<128xf32, #tpu.memory_space<vmem>>
    %dma_start3A_69 = arith.constant 0 : i32
    %dma_start3A_70 = tpu.memref_slice %arg13[%dma_start3A_66, %dma_start3A_69] : memref<4x128xi32, #tpu.memory_space<vmem>> -> memref<1x128xi32, #tpu.memory_space<vmem>>
    %dma_start3A_71 = tpu.memref_squeeze %dma_start3A_70 : memref<1x128xi32, #tpu.memory_space<vmem>> -> memref<128xi32, #tpu.memory_space<vmem>>
    %dma_start3A_72 = arith.constant 0 : i32
    %dma_start3A_73 = tpu.memref_slice %arg2[%dma_start3A_72] : memref<1000000xf32, #tpu.memory_space<hbm>> -> memref<1000000xf32, #tpu.memory_space<hbm>>
    tpu.enqueue_indirect_dma source(%dma_start3A_73 : memref<1000000xf32, #tpu.memory_space<hbm>>) target(%dma_start3A_68 : memref<128xf32, #tpu.memory_space<vmem>>) offsets(%dma_start3A_71 : memref<128xi32, #tpu.memory_space<vmem>>) semaphore(%arg22 : memref<!tpu.dma_semaphore, #tpu.memory_space<semaphore_mem>>)
    %dma_start3A_74 = arith.constant 1 : i32
    %dma_start3A_75 = arith.constant 128 : i32
    %dma_start3A_76 = tpu.memref_slice %arg17[%dma_start3A_75] : memref<512xf32, #tpu.memory_space<vmem>> -> memref<128xf32, #tpu.memory_space<vmem>>
    %dma_start3A_77 = arith.constant 0 : i32
    %dma_start3A_78 = tpu.memref_slice %arg13[%dma_start3A_74, %dma_start3A_77] : memref<4x128xi32, #tpu.memory_space<vmem>> -> memref<1x128xi32, #tpu.memory_space<vmem>>
    %dma_start3A_79 = tpu.memref_squeeze %dma_start3A_78 : memref<1x128xi32, #tpu.memory_space<vmem>> -> memref<128xi32, #tpu.memory_space<vmem>>
    %dma_start3A_80 = arith.constant 0 : i32
    %dma_start3A_81 = tpu.memref_slice %arg3[%dma_start3A_80] : memref<1000000xf32, #tpu.memory_space<hbm>> -> memref<1000000xf32, #tpu.memory_space<hbm>>
    tpu.enqueue_indirect_dma source(%dma_start3A_81 : memref<1000000xf32, #tpu.memory_space<hbm>>) target(%dma_start3A_76 : memref<128xf32, #tpu.memory_space<vmem>>) offsets(%dma_start3A_79 : memref<128xi32, #tpu.memory_space<vmem>>) semaphore(%arg22 : memref<!tpu.dma_semaphore, #tpu.memory_space<semaphore_mem>>)
    %dma_start3A_82 = arith.constant 1 : i32
    %dma_start3A_83 = arith.constant 128 : i32
    %dma_start3A_84 = tpu.memref_slice %arg18[%dma_start3A_83] : memref<512xf32, #tpu.memory_space<vmem>> -> memref<128xf32, #tpu.memory_space<vmem>>
    %dma_start3A_85 = arith.constant 0 : i32
    %dma_start3A_86 = tpu.memref_slice %arg12[%dma_start3A_82, %dma_start3A_85] : memref<4x128xi32, #tpu.memory_space<vmem>> -> memref<1x128xi32, #tpu.memory_space<vmem>>
    %dma_start3A_87 = tpu.memref_squeeze %dma_start3A_86 : memref<1x128xi32, #tpu.memory_space<vmem>> -> memref<128xi32, #tpu.memory_space<vmem>>
    %dma_start3A_88 = arith.constant 0 : i32
    %dma_start3A_89 = tpu.memref_slice %arg4[%dma_start3A_88] : memref<1000xf32, #tpu.memory_space<hbm>> -> memref<1000xf32, #tpu.memory_space<hbm>>
    tpu.enqueue_indirect_dma source(%dma_start3A_89 : memref<1000xf32, #tpu.memory_space<hbm>>) target(%dma_start3A_84 : memref<128xf32, #tpu.memory_space<vmem>>) offsets(%dma_start3A_87 : memref<128xi32, #tpu.memory_space<vmem>>) semaphore(%arg22 : memref<!tpu.dma_semaphore, #tpu.memory_space<semaphore_mem>>)
    %dma_start3A_90 = arith.constant 1 : i32
    %dma_start3A_91 = arith.constant 128 : i32
    %dma_start3A_92 = tpu.memref_slice %arg19[%dma_start3A_91] : memref<512xf32, #tpu.memory_space<vmem>> -> memref<128xf32, #tpu.memory_space<vmem>>
    %dma_start3A_93 = arith.constant 0 : i32
    %dma_start3A_94 = tpu.memref_slice %arg12[%dma_start3A_90, %dma_start3A_93] : memref<4x128xi32, #tpu.memory_space<vmem>> -> memref<1x128xi32, #tpu.memory_space<vmem>>
    %dma_start3A_95 = tpu.memref_squeeze %dma_start3A_94 : memref<1x128xi32, #tpu.memory_space<vmem>> -> memref<128xi32, #tpu.memory_space<vmem>>
    %dma_start3A_96 = arith.constant 0 : i32
    %dma_start3A_97 = tpu.memref_slice %arg5[%dma_start3A_96] : memref<1000xf32, #tpu.memory_space<hbm>> -> memref<1000xf32, #tpu.memory_space<hbm>>
    tpu.enqueue_indirect_dma source(%dma_start3A_97 : memref<1000xf32, #tpu.memory_space<hbm>>) target(%dma_start3A_92 : memref<128xf32, #tpu.memory_space<vmem>>) offsets(%dma_start3A_95 : memref<128xi32, #tpu.memory_space<vmem>>) semaphore(%arg22 : memref<!tpu.dma_semaphore, #tpu.memory_space<semaphore_mem>>)
    %dma_start3A_98 = arith.constant 2 : i32
    %dma_start3A_99 = arith.constant 256 : i32
    %dma_start3A_100 = tpu.memref_slice %arg14[%dma_start3A_99] : memref<512xf32, #tpu.memory_space<vmem>> -> memref<128xf32, #tpu.memory_space<vmem>>
    %dma_start3A_101 = arith.constant 0 : i32
    %dma_start3A_102 = tpu.memref_slice %arg11[%dma_start3A_98, %dma_start3A_101] : memref<4x128xi32, #tpu.memory_space<vmem>> -> memref<1x128xi32, #tpu.memory_space<vmem>>
    %dma_start3A_103 = tpu.memref_squeeze %dma_start3A_102 : memref<1x128xi32, #tpu.memory_space<vmem>> -> memref<128xi32, #tpu.memory_space<vmem>>
    %dma_start3A_104 = arith.constant 0 : i32
    %dma_start3A_105 = tpu.memref_slice %arg2[%dma_start3A_104] : memref<1000000xf32, #tpu.memory_space<hbm>> -> memref<1000000xf32, #tpu.memory_space<hbm>>
    tpu.enqueue_indirect_dma source(%dma_start3A_105 : memref<1000000xf32, #tpu.memory_space<hbm>>) target(%dma_start3A_100 : memref<128xf32, #tpu.memory_space<vmem>>) offsets(%dma_start3A_103 : memref<128xi32, #tpu.memory_space<vmem>>) semaphore(%arg22 : memref<!tpu.dma_semaphore, #tpu.memory_space<semaphore_mem>>)
    %dma_start3A_106 = arith.constant 2 : i32
    %dma_start3A_107 = arith.constant 256 : i32
    %dma_start3A_108 = tpu.memref_slice %arg15[%dma_start3A_107] : memref<512xf32, #tpu.memory_space<vmem>> -> memref<128xf32, #tpu.memory_space<vmem>>
    %dma_start3A_109 = arith.constant 0 : i32
    %dma_start3A_110 = tpu.memref_slice %arg11[%dma_start3A_106, %dma_start3A_109] : memref<4x128xi32, #tpu.memory_space<vmem>> -> memref<1x128xi32, #tpu.memory_space<vmem>>
    %dma_start3A_111 = tpu.memref_squeeze %dma_start3A_110 : memref<1x128xi32, #tpu.memory_space<vmem>> -> memref<128xi32, #tpu.memory_space<vmem>>
    %dma_start3A_112 = arith.constant 0 : i32
    %dma_start3A_113 = tpu.memref_slice %arg3[%dma_start3A_112] : memref<1000000xf32, #tpu.memory_space<hbm>> -> memref<1000000xf32, #tpu.memory_space<hbm>>
    tpu.enqueue_indirect_dma source(%dma_start3A_113 : memref<1000000xf32, #tpu.memory_space<hbm>>) target(%dma_start3A_108 : memref<128xf32, #tpu.memory_space<vmem>>) offsets(%dma_start3A_111 : memref<128xi32, #tpu.memory_space<vmem>>) semaphore(%arg22 : memref<!tpu.dma_semaphore, #tpu.memory_space<semaphore_mem>>)
    %dma_start3A_114 = arith.constant 2 : i32
    %dma_start3A_115 = arith.constant 256 : i32
    %dma_start3A_116 = tpu.memref_slice %arg16[%dma_start3A_115] : memref<512xf32, #tpu.memory_space<vmem>> -> memref<128xf32, #tpu.memory_space<vmem>>
    %dma_start3A_117 = arith.constant 0 : i32
    %dma_start3A_118 = tpu.memref_slice %arg13[%dma_start3A_114, %dma_start3A_117] : memref<4x128xi32, #tpu.memory_space<vmem>> -> memref<1x128xi32, #tpu.memory_space<vmem>>
    %dma_start3A_119 = tpu.memref_squeeze %dma_start3A_118 : memref<1x128xi32, #tpu.memory_space<vmem>> -> memref<128xi32, #tpu.memory_space<vmem>>
    %dma_start3A_120 = arith.constant 0 : i32
    %dma_start3A_121 = tpu.memref_slice %arg2[%dma_start3A_120] : memref<1000000xf32, #tpu.memory_space<hbm>> -> memref<1000000xf32, #tpu.memory_space<hbm>>
    tpu.enqueue_indirect_dma source(%dma_start3A_121 : memref<1000000xf32, #tpu.memory_space<hbm>>) target(%dma_start3A_116 : memref<128xf32, #tpu.memory_space<vmem>>) offsets(%dma_start3A_119 : memref<128xi32, #tpu.memory_space<vmem>>) semaphore(%arg22 : memref<!tpu.dma_semaphore, #tpu.memory_space<semaphore_mem>>)
    %dma_start3A_122 = arith.constant 2 : i32
    %dma_start3A_123 = arith.constant 256 : i32
    %dma_start3A_124 = tpu.memref_slice %arg17[%dma_start3A_123] : memref<512xf32, #tpu.memory_space<vmem>> -> memref<128xf32, #tpu.memory_space<vmem>>
    %dma_start3A_125 = arith.constant 0 : i32
    %dma_start3A_126 = tpu.memref_slice %arg13[%dma_start3A_122, %dma_start3A_125] : memref<4x128xi32, #tpu.memory_space<vmem>> -> memref<1x128xi32, #tpu.memory_space<vmem>>
    %dma_start3A_127 = tpu.memref_squeeze %dma_start3A_126 : memref<1x128xi32, #tpu.memory_space<vmem>> -> memref<128xi32, #tpu.memory_space<vmem>>
    %dma_start3A_128 = arith.constant 0 : i32
    %dma_start3A_129 = tpu.memref_slice %arg3[%dma_start3A_128] : memref<1000000xf32, #tpu.memory_space<hbm>> -> memref<1000000xf32, #tpu.memory_space<hbm>>
    tpu.enqueue_indirect_dma source(%dma_start3A_129 : memref<1000000xf32, #tpu.memory_space<hbm>>) target(%dma_start3A_124 : memref<128xf32, #tpu.memory_space<vmem>>) offsets(%dma_start3A_127 : memref<128xi32, #tpu.memory_space<vmem>>) semaphore(%arg22 : memref<!tpu.dma_semaphore, #tpu.memory_space<semaphore_mem>>)
    %dma_start3A_130 = arith.constant 2 : i32
    %dma_start3A_131 = arith.constant 256 : i32
    %dma_start3A_132 = tpu.memref_slice %arg18[%dma_start3A_131] : memref<512xf32, #tpu.memory_space<vmem>> -> memref<128xf32, #tpu.memory_space<vmem>>
    %dma_start3A_133 = arith.constant 0 : i32
    %dma_start3A_134 = tpu.memref_slice %arg12[%dma_start3A_130, %dma_start3A_133] : memref<4x128xi32, #tpu.memory_space<vmem>> -> memref<1x128xi32, #tpu.memory_space<vmem>>
    %dma_start3A_135 = tpu.memref_squeeze %dma_start3A_134 : memref<1x128xi32, #tpu.memory_space<vmem>> -> memref<128xi32, #tpu.memory_space<vmem>>
    %dma_start3A_136 = arith.constant 0 : i32
    %dma_start3A_137 = tpu.memref_slice %arg4[%dma_start3A_136] : memref<1000xf32, #tpu.memory_space<hbm>> -> memref<1000xf32, #tpu.memory_space<hbm>>
    tpu.enqueue_indirect_dma source(%dma_start3A_137 : memref<1000xf32, #tpu.memory_space<hbm>>) target(%dma_start3A_132 : memref<128xf32, #tpu.memory_space<vmem>>) offsets(%dma_start3A_135 : memref<128xi32, #tpu.memory_space<vmem>>) semaphore(%arg22 : memref<!tpu.dma_semaphore, #tpu.memory_space<semaphore_mem>>)
    %dma_start3A_138 = arith.constant 2 : i32
    %dma_start3A_139 = arith.constant 256 : i32
    %dma_start3A_140 = tpu.memref_slice %arg19[%dma_start3A_139] : memref<512xf32, #tpu.memory_space<vmem>> -> memref<128xf32, #tpu.memory_space<vmem>>
    %dma_start3A_141 = arith.constant 0 : i32
    %dma_start3A_142 = tpu.memref_slice %arg12[%dma_start3A_138, %dma_start3A_141] : memref<4x128xi32, #tpu.memory_space<vmem>> -> memref<1x128xi32, #tpu.memory_space<vmem>>
    %dma_start3A_143 = tpu.memref_squeeze %dma_start3A_142 : memref<1x128xi32, #tpu.memory_space<vmem>> -> memref<128xi32, #tpu.memory_space<vmem>>
    %dma_start3A_144 = arith.constant 0 : i32
    %dma_start3A_145 = tpu.memref_slice %arg5[%dma_start3A_144] : memref<1000xf32, #tpu.memory_space<hbm>> -> memref<1000xf32, #tpu.memory_space<hbm>>
    tpu.enqueue_indirect_dma source(%dma_start3A_145 : memref<1000xf32, #tpu.memory_space<hbm>>) target(%dma_start3A_140 : memref<128xf32, #tpu.memory_space<vmem>>) offsets(%dma_start3A_143 : memref<128xi32, #tpu.memory_space<vmem>>) semaphore(%arg22 : memref<!tpu.dma_semaphore, #tpu.memory_space<semaphore_mem>>)
    %dma_start3A_146 = arith.constant 3 : i32
    %dma_start3A_147 = arith.constant 384 : i32
    %dma_start3A_148 = tpu.memref_slice %arg14[%dma_start3A_147] : memref<512xf32, #tpu.memory_space<vmem>> -> memref<128xf32, #tpu.memory_space<vmem>>
    %dma_start3A_149 = arith.constant 0 : i32
    %dma_start3A_150 = tpu.memref_slice %arg11[%dma_start3A_146, %dma_start3A_149] : memref<4x128xi32, #tpu.memory_space<vmem>> -> memref<1x128xi32, #tpu.memory_space<vmem>>
    %dma_start3A_151 = tpu.memref_squeeze %dma_start3A_150 : memref<1x128xi32, #tpu.memory_space<vmem>> -> memref<128xi32, #tpu.memory_space<vmem>>
    %dma_start3A_152 = arith.constant 0 : i32
    %dma_start3A_153 = tpu.memref_slice %arg2[%dma_start3A_152] : memref<1000000xf32, #tpu.memory_space<hbm>> -> memref<1000000xf32, #tpu.memory_space<hbm>>
    tpu.enqueue_indirect_dma source(%dma_start3A_153 : memref<1000000xf32, #tpu.memory_space<hbm>>) target(%dma_start3A_148 : memref<128xf32, #tpu.memory_space<vmem>>) offsets(%dma_start3A_151 : memref<128xi32, #tpu.memory_space<vmem>>) semaphore(%arg22 : memref<!tpu.dma_semaphore, #tpu.memory_space<semaphore_mem>>)
    %dma_start3A_154 = arith.constant 3 : i32
    %dma_start3A_155 = arith.constant 384 : i32
    %dma_start3A_156 = tpu.memref_slice %arg15[%dma_start3A_155] : memref<512xf32, #tpu.memory_space<vmem>> -> memref<128xf32, #tpu.memory_space<vmem>>
    %dma_start3A_157 = arith.constant 0 : i32
    %dma_start3A_158 = tpu.memref_slice %arg11[%dma_start3A_154, %dma_start3A_157] : memref<4x128xi32, #tpu.memory_space<vmem>> -> memref<1x128xi32, #tpu.memory_space<vmem>>
    %dma_start3A_159 = tpu.memref_squeeze %dma_start3A_158 : memref<1x128xi32, #tpu.memory_space<vmem>> -> memref<128xi32, #tpu.memory_space<vmem>>
    %dma_start3A_160 = arith.constant 0 : i32
    %dma_start3A_161 = tpu.memref_slice %arg3[%dma_start3A_160] : memref<1000000xf32, #tpu.memory_space<hbm>> -> memref<1000000xf32, #tpu.memory_space<hbm>>
    tpu.enqueue_indirect_dma source(%dma_start3A_161 : memref<1000000xf32, #tpu.memory_space<hbm>>) target(%dma_start3A_156 : memref<128xf32, #tpu.memory_space<vmem>>) offsets(%dma_start3A_159 : memref<128xi32, #tpu.memory_space<vmem>>) semaphore(%arg22 : memref<!tpu.dma_semaphore, #tpu.memory_space<semaphore_mem>>)
    %dma_start3A_162 = arith.constant 3 : i32
    %dma_start3A_163 = arith.constant 384 : i32
    %dma_start3A_164 = tpu.memref_slice %arg16[%dma_start3A_163] : memref<512xf32, #tpu.memory_space<vmem>> -> memref<128xf32, #tpu.memory_space<vmem>>
    %dma_start3A_165 = arith.constant 0 : i32
    %dma_start3A_166 = tpu.memref_slice %arg13[%dma_start3A_162, %dma_start3A_165] : memref<4x128xi32, #tpu.memory_space<vmem>> -> memref<1x128xi32, #tpu.memory_space<vmem>>
    %dma_start3A_167 = tpu.memref_squeeze %dma_start3A_166 : memref<1x128xi32, #tpu.memory_space<vmem>> -> memref<128xi32, #tpu.memory_space<vmem>>
    %dma_start3A_168 = arith.constant 0 : i32
    %dma_start3A_169 = tpu.memref_slice %arg2[%dma_start3A_168] : memref<1000000xf32, #tpu.memory_space<hbm>> -> memref<1000000xf32, #tpu.memory_space<hbm>>
    tpu.enqueue_indirect_dma source(%dma_start3A_169 : memref<1000000xf32, #tpu.memory_space<hbm>>) target(%dma_start3A_164 : memref<128xf32, #tpu.memory_space<vmem>>) offsets(%dma_start3A_167 : memref<128xi32, #tpu.memory_space<vmem>>) semaphore(%arg22 : memref<!tpu.dma_semaphore, #tpu.memory_space<semaphore_mem>>)
    %dma_start3A_170 = arith.constant 3 : i32
    %dma_start3A_171 = arith.constant 384 : i32
    %dma_start3A_172 = tpu.memref_slice %arg17[%dma_start3A_171] : memref<512xf32, #tpu.memory_space<vmem>> -> memref<128xf32, #tpu.memory_space<vmem>>
    %dma_start3A_173 = arith.constant 0 : i32
    %dma_start3A_174 = tpu.memref_slice %arg13[%dma_start3A_170, %dma_start3A_173] : memref<4x128xi32, #tpu.memory_space<vmem>> -> memref<1x128xi32, #tpu.memory_space<vmem>>
    %dma_start3A_175 = tpu.memref_squeeze %dma_start3A_174 : memref<1x128xi32, #tpu.memory_space<vmem>> -> memref<128xi32, #tpu.memory_space<vmem>>
    %dma_start3A_176 = arith.constant 0 : i32
    %dma_start3A_177 = tpu.memref_slice %arg3[%dma_start3A_176] : memref<1000000xf32, #tpu.memory_space<hbm>> -> memref<1000000xf32, #tpu.memory_space<hbm>>
    tpu.enqueue_indirect_dma source(%dma_start3A_177 : memref<1000000xf32, #tpu.memory_space<hbm>>) target(%dma_start3A_172 : memref<128xf32, #tpu.memory_space<vmem>>) offsets(%dma_start3A_175 : memref<128xi32, #tpu.memory_space<vmem>>) semaphore(%arg22 : memref<!tpu.dma_semaphore, #tpu.memory_space<semaphore_mem>>)
    %dma_start3A_178 = arith.constant 3 : i32
    %dma_start3A_179 = arith.constant 384 : i32
    %dma_start3A_180 = tpu.memref_slice %arg18[%dma_start3A_179] : memref<512xf32, #tpu.memory_space<vmem>> -> memref<128xf32, #tpu.memory_space<vmem>>
    %dma_start3A_181 = arith.constant 0 : i32
    %dma_start3A_182 = tpu.memref_slice %arg12[%dma_start3A_178, %dma_start3A_181] : memref<4x128xi32, #tpu.memory_space<vmem>> -> memref<1x128xi32, #tpu.memory_space<vmem>>
    %dma_start3A_183 = tpu.memref_squeeze %dma_start3A_182 : memref<1x128xi32, #tpu.memory_space<vmem>> -> memref<128xi32, #tpu.memory_space<vmem>>
    %dma_start3A_184 = arith.constant 0 : i32
    %dma_start3A_185 = tpu.memref_slice %arg4[%dma_start3A_184] : memref<1000xf32, #tpu.memory_space<hbm>> -> memref<1000xf32, #tpu.memory_space<hbm>>
    tpu.enqueue_indirect_dma source(%dma_start3A_185 : memref<1000xf32, #tpu.memory_space<hbm>>) target(%dma_start3A_180 : memref<128xf32, #tpu.memory_space<vmem>>) offsets(%dma_start3A_183 : memref<128xi32, #tpu.memory_space<vmem>>) semaphore(%arg22 : memref<!tpu.dma_semaphore, #tpu.memory_space<semaphore_mem>>)
    %dma_start3A_186 = arith.constant 3 : i32
    %dma_start3A_187 = arith.constant 384 : i32
    %dma_start3A_188 = tpu.memref_slice %arg19[%dma_start3A_187] : memref<512xf32, #tpu.memory_space<vmem>> -> memref<128xf32, #tpu.memory_space<vmem>>
    %dma_start3A_189 = arith.constant 0 : i32
    %dma_start3A_190 = tpu.memref_slice %arg12[%dma_start3A_186, %dma_start3A_189] : memref<4x128xi32, #tpu.memory_space<vmem>> -> memref<1x128xi32, #tpu.memory_space<vmem>>
    %dma_start3A_191 = tpu.memref_squeeze %dma_start3A_190 : memref<1x128xi32, #tpu.memory_space<vmem>> -> memref<128xi32, #tpu.memory_space<vmem>>
    %dma_start3A_192 = arith.constant 0 : i32
    %dma_start3A_193 = tpu.memref_slice %arg5[%dma_start3A_192] : memref<1000xf32, #tpu.memory_space<hbm>> -> memref<1000xf32, #tpu.memory_space<hbm>>
    tpu.enqueue_indirect_dma source(%dma_start3A_193 : memref<1000xf32, #tpu.memory_space<hbm>>) target(%dma_start3A_188 : memref<128xf32, #tpu.memory_space<vmem>>) offsets(%dma_start3A_191 : memref<128xi32, #tpu.memory_space<vmem>>) semaphore(%arg22 : memref<!tpu.dma_semaphore, #tpu.memory_space<semaphore_mem>>)
    %dma_wait3A = arith.constant 0 : i32
    %dma_wait3A_194 = arith.constant 0 : i32
    %dma_wait3A_195 = tpu.memref_slice %arg14[%dma_wait3A_194] : memref<512xf32, #tpu.memory_space<vmem>> -> memref<128xf32, #tpu.memory_space<vmem>>
    %dma_wait3A_196 = arith.constant 0 : i32
    %dma_wait3A_197 = tpu.memref_slice %arg11[%dma_wait3A, %dma_wait3A_196] : memref<4x128xi32, #tpu.memory_space<vmem>> -> memref<1x128xi32, #tpu.memory_space<vmem>>
    %dma_wait3A_198 = tpu.memref_squeeze %dma_wait3A_197 : memref<1x128xi32, #tpu.memory_space<vmem>> -> memref<128xi32, #tpu.memory_space<vmem>>
    %dma_wait3A_199 = arith.constant 0 : i32
    %dma_wait3A_200 = tpu.memref_slice %arg2[%dma_wait3A_199] : memref<1000000xf32, #tpu.memory_space<hbm>> -> memref<1000000xf32, #tpu.memory_space<hbm>>
    tpu.wait_indirect_dma semaphore(%arg22 : memref<!tpu.dma_semaphore, #tpu.memory_space<semaphore_mem>>) src(%dma_wait3A_200 : memref<1000000xf32, #tpu.memory_space<hbm>>) dst(%dma_wait3A_195 : memref<128xf32, #tpu.memory_space<vmem>>)
    %dma_wait3A_201 = arith.constant 0 : i32
    %dma_wait3A_202 = arith.constant 0 : i32
    %dma_wait3A_203 = tpu.memref_slice %arg15[%dma_wait3A_202] : memref<512xf32, #tpu.memory_space<vmem>> -> memref<128xf32, #tpu.memory_space<vmem>>
    %dma_wait3A_204 = arith.constant 0 : i32
    %dma_wait3A_205 = tpu.memref_slice %arg11[%dma_wait3A_201, %dma_wait3A_204] : memref<4x128xi32, #tpu.memory_space<vmem>> -> memref<1x128xi32, #tpu.memory_space<vmem>>
    %dma_wait3A_206 = tpu.memref_squeeze %dma_wait3A_205 : memref<1x128xi32, #tpu.memory_space<vmem>> -> memref<128xi32, #tpu.memory_space<vmem>>
    %dma_wait3A_207 = arith.constant 0 : i32
    %dma_wait3A_208 = tpu.memref_slice %arg3[%dma_wait3A_207] : memref<1000000xf32, #tpu.memory_space<hbm>> -> memref<1000000xf32, #tpu.memory_space<hbm>>
    tpu.wait_indirect_dma semaphore(%arg22 : memref<!tpu.dma_semaphore, #tpu.memory_space<semaphore_mem>>) src(%dma_wait3A_208 : memref<1000000xf32, #tpu.memory_space<hbm>>) dst(%dma_wait3A_203 : memref<128xf32, #tpu.memory_space<vmem>>)
    %dma_wait3A_209 = arith.constant 0 : i32
    %dma_wait3A_210 = arith.constant 0 : i32
    %dma_wait3A_211 = tpu.memref_slice %arg16[%dma_wait3A_210] : memref<512xf32, #tpu.memory_space<vmem>> -> memref<128xf32, #tpu.memory_space<vmem>>
    %dma_wait3A_212 = arith.constant 0 : i32
    %dma_wait3A_213 = tpu.memref_slice %arg13[%dma_wait3A_209, %dma_wait3A_212] : memref<4x128xi32, #tpu.memory_space<vmem>> -> memref<1x128xi32, #tpu.memory_space<vmem>>
    %dma_wait3A_214 = tpu.memref_squeeze %dma_wait3A_213 : memref<1x128xi32, #tpu.memory_space<vmem>> -> memref<128xi32, #tpu.memory_space<vmem>>
    %dma_wait3A_215 = arith.constant 0 : i32
    %dma_wait3A_216 = tpu.memref_slice %arg2[%dma_wait3A_215] : memref<1000000xf32, #tpu.memory_space<hbm>> -> memref<1000000xf32, #tpu.memory_space<hbm>>
    tpu.wait_indirect_dma semaphore(%arg22 : memref<!tpu.dma_semaphore, #tpu.memory_space<semaphore_mem>>) src(%dma_wait3A_216 : memref<1000000xf32, #tpu.memory_space<hbm>>) dst(%dma_wait3A_211 : memref<128xf32, #tpu.memory_space<vmem>>)
    %dma_wait3A_217 = arith.constant 0 : i32
    %dma_wait3A_218 = arith.constant 0 : i32
    %dma_wait3A_219 = tpu.memref_slice %arg17[%dma_wait3A_218] : memref<512xf32, #tpu.memory_space<vmem>> -> memref<128xf32, #tpu.memory_space<vmem>>
    %dma_wait3A_220 = arith.constant 0 : i32
    %dma_wait3A_221 = tpu.memref_slice %arg13[%dma_wait3A_217, %dma_wait3A_220] : memref<4x128xi32, #tpu.memory_space<vmem>> -> memref<1x128xi32, #tpu.memory_space<vmem>>
    %dma_wait3A_222 = tpu.memref_squeeze %dma_wait3A_221 : memref<1x128xi32, #tpu.memory_space<vmem>> -> memref<128xi32, #tpu.memory_space<vmem>>
    %dma_wait3A_223 = arith.constant 0 : i32
    %dma_wait3A_224 = tpu.memref_slice %arg3[%dma_wait3A_223] : memref<1000000xf32, #tpu.memory_space<hbm>> -> memref<1000000xf32, #tpu.memory_space<hbm>>
    tpu.wait_indirect_dma semaphore(%arg22 : memref<!tpu.dma_semaphore, #tpu.memory_space<semaphore_mem>>) src(%dma_wait3A_224 : memref<1000000xf32, #tpu.memory_space<hbm>>) dst(%dma_wait3A_219 : memref<128xf32, #tpu.memory_space<vmem>>)
    %dma_wait3A_225 = arith.constant 0 : i32
    %dma_wait3A_226 = arith.constant 0 : i32
    %dma_wait3A_227 = tpu.memref_slice %arg18[%dma_wait3A_226] : memref<512xf32, #tpu.memory_space<vmem>> -> memref<128xf32, #tpu.memory_space<vmem>>
    %dma_wait3A_228 = arith.constant 0 : i32
    %dma_wait3A_229 = tpu.memref_slice %arg12[%dma_wait3A_225, %dma_wait3A_228] : memref<4x128xi32, #tpu.memory_space<vmem>> -> memref<1x128xi32, #tpu.memory_space<vmem>>
    %dma_wait3A_230 = tpu.memref_squeeze %dma_wait3A_229 : memref<1x128xi32, #tpu.memory_space<vmem>> -> memref<128xi32, #tpu.memory_space<vmem>>
    %dma_wait3A_231 = arith.constant 0 : i32
    %dma_wait3A_232 = tpu.memref_slice %arg4[%dma_wait3A_231] : memref<1000xf32, #tpu.memory_space<hbm>> -> memref<1000xf32, #tpu.memory_space<hbm>>
    tpu.wait_indirect_dma semaphore(%arg22 : memref<!tpu.dma_semaphore, #tpu.memory_space<semaphore_mem>>) src(%dma_wait3A_232 : memref<1000xf32, #tpu.memory_space<hbm>>) dst(%dma_wait3A_227 : memref<128xf32, #tpu.memory_space<vmem>>)
    %dma_wait3A_233 = arith.constant 0 : i32
    %dma_wait3A_234 = arith.constant 0 : i32
    %dma_wait3A_235 = tpu.memref_slice %arg19[%dma_wait3A_234] : memref<512xf32, #tpu.memory_space<vmem>> -> memref<128xf32, #tpu.memory_space<vmem>>
    %dma_wait3A_236 = arith.constant 0 : i32
    %dma_wait3A_237 = tpu.memref_slice %arg12[%dma_wait3A_233, %dma_wait3A_236] : memref<4x128xi32, #tpu.memory_space<vmem>> -> memref<1x128xi32, #tpu.memory_space<vmem>>
    %dma_wait3A_238 = tpu.memref_squeeze %dma_wait3A_237 : memref<1x128xi32, #tpu.memory_space<vmem>> -> memref<128xi32, #tpu.memory_space<vmem>>
    %dma_wait3A_239 = arith.constant 0 : i32
    %dma_wait3A_240 = tpu.memref_slice %arg5[%dma_wait3A_239] : memref<1000xf32, #tpu.memory_space<hbm>> -> memref<1000xf32, #tpu.memory_space<hbm>>
    tpu.wait_indirect_dma semaphore(%arg22 : memref<!tpu.dma_semaphore, #tpu.memory_space<semaphore_mem>>) src(%dma_wait3A_240 : memref<1000xf32, #tpu.memory_space<hbm>>) dst(%dma_wait3A_235 : memref<128xf32, #tpu.memory_space<vmem>>)
    %scan3A = arith.constant 0 : i32
    %scan3A_241 = arith.constant 0 : i32
    %scan3A_242 = arith.constant 8 : i32
    %scan3A_243 = arith.addi %scan3A_241, %scan3A_242 : i32
    %scan3A_244 = arith.constant 1 : i32
    scf.for %scan3A_424 = %scan3A_241 to %scan3A_243 step %scan3A_244  : i32 {
      %mul3A_425 = arith.constant 16 : i32
      %mul3A_426 = arith.muli %scan3A_424, %mul3A_425 : i32
      %multiple_of3A = tpu.assume_multiple %mul3A_426, 16 : i32
      %get3A = arith.index_cast %multiple_of3A : i32 to index
      %get3A_427 = tpu.vector_load %arg14[%get3A] {strides = array<i32>} : memref<512xf32, #tpu.memory_space<vmem>>, vector<16xf32>,
      %get3A_428 = arith.index_cast %multiple_of3A : i32 to index
      %get3A_429 = tpu.vector_load %arg18[%get3A_428] {strides = array<i32>} : memref<512xf32, #tpu.memory_space<vmem>>, vector<16xf32>,
      %add3A_430 = arith.addf %get3A_427, %get3A_429 : vector<16xf32>
      %get3A_431 = arith.index_cast %multiple_of3A : i32 to index
      %get3A_432 = tpu.vector_load %arg16[%get3A_431] {strides = array<i32>} : memref<512xf32, #tpu.memory_space<vmem>>, vector<16xf32>,
      %sub3A = arith.subf %add3A_430, %get3A_432 : vector<16xf32>
      %get3A_433 = arith.index_cast %multiple_of3A : i32 to index
      %get3A_434 = tpu.vector_load %arg15[%get3A_433] {strides = array<i32>} : memref<512xf32, #tpu.memory_space<vmem>>, vector<16xf32>,
      %get3A_435 = arith.index_cast %multiple_of3A : i32 to index
      %get3A_436 = tpu.vector_load %arg19[%get3A_435] {strides = array<i32>} : memref<512xf32, #tpu.memory_space<vmem>>, vector<16xf32>,
      %add3A_437 = arith.addf %get3A_434, %get3A_436 : vector<16xf32>
      %get3A_438 = arith.index_cast %multiple_of3A : i32 to index
      %get3A_439 = tpu.vector_load %arg17[%get3A_438] {strides = array<i32>} : memref<512xf32, #tpu.memory_space<vmem>>, vector<16xf32>,
      %sub3A_440 = arith.subf %add3A_437, %get3A_439 : vector<16xf32>
      %neg3A = arith.constant 0.000000e+00 : f32
      %neg3A_441 = vector.broadcast %neg3A : f32 to vector<16xf32>
      %neg3A_442 = arith.subf %neg3A_441, %sub3A : vector<16xf32>
      %exp3A = math.exp %neg3A_442 : vector<16xf32>
      %add3A_443 = arith.constant 1.000000e+00 : f32
      %add3A_444 = vector.broadcast %add3A_443 : f32 to vector<16xf32>
      %add3A_445 = arith.addf %add3A_444, %exp3A : vector<16xf32>
      %div3A = arith.constant 1.000000e+00 : f32
      %div3A_446 = vector.broadcast %div3A : f32 to vector<16xf32>
      %div3A_447 = arith.divf %div3A_446, %add3A_445 : vector<16xf32>
      %swap3A = arith.index_cast %multiple_of3A : i32 to index
      %swap3A_448 = tpu.vector_load %arg20[%swap3A] {strides = array<i32>} : memref<512xf32, #tpu.memory_space<vmem>>, vector<16xf32>,
      tpu.vector_store %arg20[%swap3A], %div3A_447 {strides = array<i32>} : memref<512xf32, #tpu.memory_space<vmem>>, vector<16xf32>,
      %neg3A_449 = arith.constant 0.000000e+00 : f32
      %neg3A_450 = vector.broadcast %neg3A_449 : f32 to vector<16xf32>
      %neg3A_451 = arith.subf %neg3A_450, %sub3A_440 : vector<16xf32>
      %exp3A_452 = math.exp %neg3A_451 : vector<16xf32>
      %add3A_453 = arith.constant 1.000000e+00 : f32
      %add3A_454 = vector.broadcast %add3A_453 : f32 to vector<16xf32>
      %add3A_455 = arith.addf %add3A_454, %exp3A_452 : vector<16xf32>
      %div3A_456 = arith.constant 1.000000e+00 : f32
      %div3A_457 = vector.broadcast %div3A_456 : f32 to vector<16xf32>
      %div3A_458 = arith.divf %div3A_457, %add3A_455 : vector<16xf32>
      %swap3A_459 = arith.index_cast %multiple_of3A : i32 to index
      %swap3A_460 = tpu.vector_load %arg21[%swap3A_459] {strides = array<i32>} : memref<512xf32, #tpu.memory_space<vmem>>, vector<16xf32>,
      tpu.vector_store %arg21[%swap3A_459], %div3A_458 {strides = array<i32>} : memref<512xf32, #tpu.memory_space<vmem>>, vector<16xf32>,
    }
    %scan3A_245 = arith.constant 8 : i32
    %add3A_246 = arith.constant 0 : i32
    %add3A_247 = arith.addi %mul3A_2, %add3A_246 : i32
    "tpu.region"() ({
      %run_scoped3A = tpu.sem_alloc : memref<!tpu.dma_semaphore, #tpu.memory_space<semaphore_mem>>
      %dma_start3A_424 = arith.constant 0 : i32
      %dma_start3A_425 = tpu.memref_slice %arg20[%dma_start3A_424] : memref<512xf32, #tpu.memory_space<vmem>> -> memref<128xf32, #tpu.memory_space<vmem>>
      %dma_start3A_426 = tpu.memref_slice %arg9[%add3A_247] : memref<16384xf32, #tpu.memory_space<hbm>> -> memref<128xf32, #tpu.memory_space<hbm>>
      %dma_start3A_427 = tpu.memref_slice %arg9[%add3A_247] : memref<16384xf32, #tpu.memory_space<hbm>> -> memref<128xf32, #tpu.memory_space<hbm>>
      %dma_start3A_428 = arith.constant 0 : i32
      %dma_start3A_429 = tpu.memref_slice %arg20[%dma_start3A_428] : memref<512xf32, #tpu.memory_space<vmem>> -> memref<128xf32, #tpu.memory_space<vmem>>
      tpu.enqueue_dma source(%dma_start3A_429 : memref<128xf32, #tpu.memory_space<vmem>>) target(%dma_start3A_427 : memref<128xf32, #tpu.memory_space<hbm>>) target_semaphore(%run_scoped3A : memref<!tpu.dma_semaphore, #tpu.memory_space<semaphore_mem>>)
      %dma_wait3A_430 = arith.constant 0 : i32
      %dma_wait3A_431 = tpu.memref_slice %arg20[%dma_wait3A_430] : memref<512xf32, #tpu.memory_space<vmem>> -> memref<128xf32, #tpu.memory_space<vmem>>
      %dma_wait3A_432 = tpu.memref_slice %arg9[%add3A_247] : memref<16384xf32, #tpu.memory_space<hbm>> -> memref<128xf32, #tpu.memory_space<hbm>>
      %dma_wait3A_433 = tpu.memref_slice %arg9[%add3A_247] : memref<16384xf32, #tpu.memory_space<hbm>> -> memref<128xf32, #tpu.memory_space<hbm>>
      %dma_wait3A_434 = arith.constant 0 : i32
      %dma_wait3A_435 = tpu.memref_slice %arg20[%dma_wait3A_434] : memref<512xf32, #tpu.memory_space<vmem>> -> memref<128xf32, #tpu.memory_space<vmem>>
      tpu.wait_dma2 semaphore(%run_scoped3A : memref<!tpu.dma_semaphore, #tpu.memory_space<semaphore_mem>>) src(%dma_wait3A_435 : memref<128xf32, #tpu.memory_space<vmem>>) dst(%dma_wait3A_433 : memref<128xf32, #tpu.memory_space<hbm>>)
      tpu.yield
    }) : () -> ()
    %add3A_248 = arith.constant 0 : i32
    %add3A_249 = arith.addi %mul3A_2, %add3A_248 : i32
    "tpu.region"() ({
      %run_scoped3A = tpu.sem_alloc : memref<!tpu.dma_semaphore, #tpu.memory_space<semaphore_mem>>
      %dma_start3A_424 = arith.constant 0 : i32
      %dma_start3A_425 = tpu.memref_slice %arg21[%dma_start3A_424] : memref<512xf32, #tpu.memory_space<vmem>> -> memref<128xf32, #tpu.memory_space<vmem>>
      %dma_start3A_426 = tpu.memref_slice %arg10[%add3A_249] : memref<16384xf32, #tpu.memory_space<hbm>> -> memref<128xf32, #tpu.memory_space<hbm>>
      %dma_start3A_427 = tpu.memref_slice %arg10[%add3A_249] : memref<16384xf32, #tpu.memory_space<hbm>> -> memref<128xf32, #tpu.memory_space<hbm>>
      %dma_start3A_428 = arith.constant 0 : i32
      %dma_start3A_429 = tpu.memref_slice %arg21[%dma_start3A_428] : memref<512xf32, #tpu.memory_space<vmem>> -> memref<128xf32, #tpu.memory_space<vmem>>
      tpu.enqueue_dma source(%dma_start3A_429 : memref<128xf32, #tpu.memory_space<vmem>>) target(%dma_start3A_427 : memref<128xf32, #tpu.memory_space<hbm>>) target_semaphore(%run_scoped3A : memref<!tpu.dma_semaphore, #tpu.memory_space<semaphore_mem>>)
      %dma_wait3A_430 = arith.constant 0 : i32
      %dma_wait3A_431 = tpu.memref_slice %arg21[%dma_wait3A_430] : memref<512xf32, #tpu.memory_space<vmem>> -> memref<128xf32, #tpu.memory_space<vmem>>
      %dma_wait3A_432 = tpu.memref_slice %arg10[%add3A_249] : memref<16384xf32, #tpu.memory_space<hbm>> -> memref<128xf32, #tpu.memory_space<hbm>>
      %dma_wait3A_433 = tpu.memref_slice %arg10[%add3A_249] : memref<16384xf32, #tpu.memory_space<hbm>> -> memref<128xf32, #tpu.memory_space<hbm>>
      %dma_wait3A_434 = arith.constant 0 : i32
      %dma_wait3A_435 = tpu.memref_slice %arg21[%dma_wait3A_434] : memref<512xf32, #tpu.memory_space<vmem>> -> memref<128xf32, #tpu.memory_space<vmem>>
      tpu.wait_dma2 semaphore(%run_scoped3A : memref<!tpu.dma_semaphore, #tpu.memory_space<semaphore_mem>>) src(%dma_wait3A_435 : memref<128xf32, #tpu.memory_space<vmem>>) dst(%dma_wait3A_433 : memref<128xf32, #tpu.memory_space<hbm>>)
      tpu.yield
    }) : () -> ()
    %dma_wait3A_250 = arith.constant 1 : i32
    %dma_wait3A_251 = arith.constant 128 : i32
    %dma_wait3A_252 = tpu.memref_slice %arg14[%dma_wait3A_251] : memref<512xf32, #tpu.memory_space<vmem>> -> memref<128xf32, #tpu.memory_space<vmem>>
    %dma_wait3A_253 = arith.constant 0 : i32
    %dma_wait3A_254 = tpu.memref_slice %arg11[%dma_wait3A_250, %dma_wait3A_253] : memref<4x128xi32, #tpu.memory_space<vmem>> -> memref<1x128xi32, #tpu.memory_space<vmem>>
    %dma_wait3A_255 = tpu.memref_squeeze %dma_wait3A_254 : memref<1x128xi32, #tpu.memory_space<vmem>> -> memref<128xi32, #tpu.memory_space<vmem>>
    %dma_wait3A_256 = arith.constant 0 : i32
    %dma_wait3A_257 = tpu.memref_slice %arg2[%dma_wait3A_256] : memref<1000000xf32, #tpu.memory_space<hbm>> -> memref<1000000xf32, #tpu.memory_space<hbm>>
    tpu.wait_indirect_dma semaphore(%arg22 : memref<!tpu.dma_semaphore, #tpu.memory_space<semaphore_mem>>) src(%dma_wait3A_257 : memref<1000000xf32, #tpu.memory_space<hbm>>) dst(%dma_wait3A_252 : memref<128xf32, #tpu.memory_space<vmem>>)
    %dma_wait3A_258 = arith.constant 1 : i32
    %dma_wait3A_259 = arith.constant 128 : i32
    %dma_wait3A_260 = tpu.memref_slice %arg15[%dma_wait3A_259] : memref<512xf32, #tpu.memory_space<vmem>> -> memref<128xf32, #tpu.memory_space<vmem>>
    %dma_wait3A_261 = arith.constant 0 : i32
    %dma_wait3A_262 = tpu.memref_slice %arg11[%dma_wait3A_258, %dma_wait3A_261] : memref<4x128xi32, #tpu.memory_space<vmem>> -> memref<1x128xi32, #tpu.memory_space<vmem>>
    %dma_wait3A_263 = tpu.memref_squeeze %dma_wait3A_262 : memref<1x128xi32, #tpu.memory_space<vmem>> -> memref<128xi32, #tpu.memory_space<vmem>>
    %dma_wait3A_264 = arith.constant 0 : i32
    %dma_wait3A_265 = tpu.memref_slice %arg3[%dma_wait3A_264] : memref<1000000xf32, #tpu.memory_space<hbm>> -> memref<1000000xf32, #tpu.memory_space<hbm>>
    tpu.wait_indirect_dma semaphore(%arg22 : memref<!tpu.dma_semaphore, #tpu.memory_space<semaphore_mem>>) src(%dma_wait3A_265 : memref<1000000xf32, #tpu.memory_space<hbm>>) dst(%dma_wait3A_260 : memref<128xf32, #tpu.memory_space<vmem>>)
    %dma_wait3A_266 = arith.constant 1 : i32
    %dma_wait3A_267 = arith.constant 128 : i32
    %dma_wait3A_268 = tpu.memref_slice %arg16[%dma_wait3A_267] : memref<512xf32, #tpu.memory_space<vmem>> -> memref<128xf32, #tpu.memory_space<vmem>>
    %dma_wait3A_269 = arith.constant 0 : i32
    %dma_wait3A_270 = tpu.memref_slice %arg13[%dma_wait3A_266, %dma_wait3A_269] : memref<4x128xi32, #tpu.memory_space<vmem>> -> memref<1x128xi32, #tpu.memory_space<vmem>>
    %dma_wait3A_271 = tpu.memref_squeeze %dma_wait3A_270 : memref<1x128xi32, #tpu.memory_space<vmem>> -> memref<128xi32, #tpu.memory_space<vmem>>
    %dma_wait3A_272 = arith.constant 0 : i32
    %dma_wait3A_273 = tpu.memref_slice %arg2[%dma_wait3A_272] : memref<1000000xf32, #tpu.memory_space<hbm>> -> memref<1000000xf32, #tpu.memory_space<hbm>>
    tpu.wait_indirect_dma semaphore(%arg22 : memref<!tpu.dma_semaphore, #tpu.memory_space<semaphore_mem>>) src(%dma_wait3A_273 : memref<1000000xf32, #tpu.memory_space<hbm>>) dst(%dma_wait3A_268 : memref<128xf32, #tpu.memory_space<vmem>>)
    %dma_wait3A_274 = arith.constant 1 : i32
    %dma_wait3A_275 = arith.constant 128 : i32
    %dma_wait3A_276 = tpu.memref_slice %arg17[%dma_wait3A_275] : memref<512xf32, #tpu.memory_space<vmem>> -> memref<128xf32, #tpu.memory_space<vmem>>
    %dma_wait3A_277 = arith.constant 0 : i32
    %dma_wait3A_278 = tpu.memref_slice %arg13[%dma_wait3A_274, %dma_wait3A_277] : memref<4x128xi32, #tpu.memory_space<vmem>> -> memref<1x128xi32, #tpu.memory_space<vmem>>
    %dma_wait3A_279 = tpu.memref_squeeze %dma_wait3A_278 : memref<1x128xi32, #tpu.memory_space<vmem>> -> memref<128xi32, #tpu.memory_space<vmem>>
    %dma_wait3A_280 = arith.constant 0 : i32
    %dma_wait3A_281 = tpu.memref_slice %arg3[%dma_wait3A_280] : memref<1000000xf32, #tpu.memory_space<hbm>> -> memref<1000000xf32, #tpu.memory_space<hbm>>
    tpu.wait_indirect_dma semaphore(%arg22 : memref<!tpu.dma_semaphore, #tpu.memory_space<semaphore_mem>>) src(%dma_wait3A_281 : memref<1000000xf32, #tpu.memory_space<hbm>>) dst(%dma_wait3A_276 : memref<128xf32, #tpu.memory_space<vmem>>)
    %dma_wait3A_282 = arith.constant 1 : i32
    %dma_wait3A_283 = arith.constant 128 : i32
    %dma_wait3A_284 = tpu.memref_slice %arg18[%dma_wait3A_283] : memref<512xf32, #tpu.memory_space<vmem>> -> memref<128xf32, #tpu.memory_space<vmem>>
    %dma_wait3A_285 = arith.constant 0 : i32
    %dma_wait3A_286 = tpu.memref_slice %arg12[%dma_wait3A_282, %dma_wait3A_285] : memref<4x128xi32, #tpu.memory_space<vmem>> -> memref<1x128xi32, #tpu.memory_space<vmem>>
    %dma_wait3A_287 = tpu.memref_squeeze %dma_wait3A_286 : memref<1x128xi32, #tpu.memory_space<vmem>> -> memref<128xi32, #tpu.memory_space<vmem>>
    %dma_wait3A_288 = arith.constant 0 : i32
    %dma_wait3A_289 = tpu.memref_slice %arg4[%dma_wait3A_288] : memref<1000xf32, #tpu.memory_space<hbm>> -> memref<1000xf32, #tpu.memory_space<hbm>>
    tpu.wait_indirect_dma semaphore(%arg22 : memref<!tpu.dma_semaphore, #tpu.memory_space<semaphore_mem>>) src(%dma_wait3A_289 : memref<1000xf32, #tpu.memory_space<hbm>>) dst(%dma_wait3A_284 : memref<128xf32, #tpu.memory_space<vmem>>)
    %dma_wait3A_290 = arith.constant 1 : i32
    %dma_wait3A_291 = arith.constant 128 : i32
    %dma_wait3A_292 = tpu.memref_slice %arg19[%dma_wait3A_291] : memref<512xf32, #tpu.memory_space<vmem>> -> memref<128xf32, #tpu.memory_space<vmem>>
    %dma_wait3A_293 = arith.constant 0 : i32
    %dma_wait3A_294 = tpu.memref_slice %arg12[%dma_wait3A_290, %dma_wait3A_293] : memref<4x128xi32, #tpu.memory_space<vmem>> -> memref<1x128xi32, #tpu.memory_space<vmem>>
    %dma_wait3A_295 = tpu.memref_squeeze %dma_wait3A_294 : memref<1x128xi32, #tpu.memory_space<vmem>> -> memref<128xi32, #tpu.memory_space<vmem>>
    %dma_wait3A_296 = arith.constant 0 : i32
    %dma_wait3A_297 = tpu.memref_slice %arg5[%dma_wait3A_296] : memref<1000xf32, #tpu.memory_space<hbm>> -> memref<1000xf32, #tpu.memory_space<hbm>>
    tpu.wait_indirect_dma semaphore(%arg22 : memref<!tpu.dma_semaphore, #tpu.memory_space<semaphore_mem>>) src(%dma_wait3A_297 : memref<1000xf32, #tpu.memory_space<hbm>>) dst(%dma_wait3A_292 : memref<128xf32, #tpu.memory_space<vmem>>)
    %scan3A_298 = arith.constant 0 : i32
    %scan3A_299 = arith.constant 8 : i32
    %scan3A_300 = arith.constant 8 : i32
    %scan3A_301 = arith.addi %scan3A_299, %scan3A_300 : i32
    %scan3A_302 = arith.constant 1 : i32
    scf.for %scan3A_424 = %scan3A_299 to %scan3A_301 step %scan3A_302  : i32 {
      %mul3A_425 = arith.constant 16 : i32
      %mul3A_426 = arith.muli %scan3A_424, %mul3A_425 : i32
      %multiple_of3A = tpu.assume_multiple %mul3A_426, 16 : i32
      %get3A = arith.index_cast %multiple_of3A : i32 to index
      %get3A_427 = tpu.vector_load %arg14[%get3A] {strides = array<i32>} : memref<512xf32, #tpu.memory_space<vmem>>, vector<16xf32>,
      %get3A_428 = arith.index_cast %multiple_of3A : i32 to index
      %get3A_429 = tpu.vector_load %arg18[%get3A_428] {strides = array<i32>} : memref<512xf32, #tpu.memory_space<vmem>>, vector<16xf32>,
      %add3A_430 = arith.addf %get3A_427, %get3A_429 : vector<16xf32>
      %get3A_431 = arith.index_cast %multiple_of3A : i32 to index
      %get3A_432 = tpu.vector_load %arg16[%get3A_431] {strides = array<i32>} : memref<512xf32, #tpu.memory_space<vmem>>, vector<16xf32>,
      %sub3A = arith.subf %add3A_430, %get3A_432 : vector<16xf32>
      %get3A_433 = arith.index_cast %multiple_of3A : i32 to index
      %get3A_434 = tpu.vector_load %arg15[%get3A_433] {strides = array<i32>} : memref<512xf32, #tpu.memory_space<vmem>>, vector<16xf32>,
      %get3A_435 = arith.index_cast %multiple_of3A : i32 to index
      %get3A_436 = tpu.vector_load %arg19[%get3A_435] {strides = array<i32>} : memref<512xf32, #tpu.memory_space<vmem>>, vector<16xf32>,
      %add3A_437 = arith.addf %get3A_434, %get3A_436 : vector<16xf32>
      %get3A_438 = arith.index_cast %multiple_of3A : i32 to index
      %get3A_439 = tpu.vector_load %arg17[%get3A_438] {strides = array<i32>} : memref<512xf32, #tpu.memory_space<vmem>>, vector<16xf32>,
      %sub3A_440 = arith.subf %add3A_437, %get3A_439 : vector<16xf32>
      %neg3A = arith.constant 0.000000e+00 : f32
      %neg3A_441 = vector.broadcast %neg3A : f32 to vector<16xf32>
      %neg3A_442 = arith.subf %neg3A_441, %sub3A : vector<16xf32>
      %exp3A = math.exp %neg3A_442 : vector<16xf32>
      %add3A_443 = arith.constant 1.000000e+00 : f32
      %add3A_444 = vector.broadcast %add3A_443 : f32 to vector<16xf32>
      %add3A_445 = arith.addf %add3A_444, %exp3A : vector<16xf32>
      %div3A = arith.constant 1.000000e+00 : f32
      %div3A_446 = vector.broadcast %div3A : f32 to vector<16xf32>
      %div3A_447 = arith.divf %div3A_446, %add3A_445 : vector<16xf32>
      %swap3A = arith.index_cast %multiple_of3A : i32 to index
      %swap3A_448 = tpu.vector_load %arg20[%swap3A] {strides = array<i32>} : memref<512xf32, #tpu.memory_space<vmem>>, vector<16xf32>,
      tpu.vector_store %arg20[%swap3A], %div3A_447 {strides = array<i32>} : memref<512xf32, #tpu.memory_space<vmem>>, vector<16xf32>,
      %neg3A_449 = arith.constant 0.000000e+00 : f32
      %neg3A_450 = vector.broadcast %neg3A_449 : f32 to vector<16xf32>
      %neg3A_451 = arith.subf %neg3A_450, %sub3A_440 : vector<16xf32>
      %exp3A_452 = math.exp %neg3A_451 : vector<16xf32>
      %add3A_453 = arith.constant 1.000000e+00 : f32
      %add3A_454 = vector.broadcast %add3A_453 : f32 to vector<16xf32>
      %add3A_455 = arith.addf %add3A_454, %exp3A_452 : vector<16xf32>
      %div3A_456 = arith.constant 1.000000e+00 : f32
      %div3A_457 = vector.broadcast %div3A_456 : f32 to vector<16xf32>
      %div3A_458 = arith.divf %div3A_457, %add3A_455 : vector<16xf32>
      %swap3A_459 = arith.index_cast %multiple_of3A : i32 to index
      %swap3A_460 = tpu.vector_load %arg21[%swap3A_459] {strides = array<i32>} : memref<512xf32, #tpu.memory_space<vmem>>, vector<16xf32>,
      tpu.vector_store %arg21[%swap3A_459], %div3A_458 {strides = array<i32>} : memref<512xf32, #tpu.memory_space<vmem>>, vector<16xf32>,
    }
    %scan3A_303 = arith.constant 8 : i32
    %add3A_304 = arith.constant 128 : i32
    %add3A_305 = arith.addi %mul3A_2, %add3A_304 : i32
    "tpu.region"() ({
      %run_scoped3A = tpu.sem_alloc : memref<!tpu.dma_semaphore, #tpu.memory_space<semaphore_mem>>
      %dma_start3A_424 = arith.constant 128 : i32
      %dma_start3A_425 = tpu.memref_slice %arg20[%dma_start3A_424] : memref<512xf32, #tpu.memory_space<vmem>> -> memref<128xf32, #tpu.memory_space<vmem>>
      %dma_start3A_426 = tpu.memref_slice %arg9[%add3A_305] : memref<16384xf32, #tpu.memory_space<hbm>> -> memref<128xf32, #tpu.memory_space<hbm>>
      %dma_start3A_427 = tpu.memref_slice %arg9[%add3A_305] : memref<16384xf32, #tpu.memory_space<hbm>> -> memref<128xf32, #tpu.memory_space<hbm>>
      %dma_start3A_428 = arith.constant 128 : i32
      %dma_start3A_429 = tpu.memref_slice %arg20[%dma_start3A_428] : memref<512xf32, #tpu.memory_space<vmem>> -> memref<128xf32, #tpu.memory_space<vmem>>
      tpu.enqueue_dma source(%dma_start3A_429 : memref<128xf32, #tpu.memory_space<vmem>>) target(%dma_start3A_427 : memref<128xf32, #tpu.memory_space<hbm>>) target_semaphore(%run_scoped3A : memref<!tpu.dma_semaphore, #tpu.memory_space<semaphore_mem>>)
      %dma_wait3A_430 = arith.constant 128 : i32
      %dma_wait3A_431 = tpu.memref_slice %arg20[%dma_wait3A_430] : memref<512xf32, #tpu.memory_space<vmem>> -> memref<128xf32, #tpu.memory_space<vmem>>
      %dma_wait3A_432 = tpu.memref_slice %arg9[%add3A_305] : memref<16384xf32, #tpu.memory_space<hbm>> -> memref<128xf32, #tpu.memory_space<hbm>>
      %dma_wait3A_433 = tpu.memref_slice %arg9[%add3A_305] : memref<16384xf32, #tpu.memory_space<hbm>> -> memref<128xf32, #tpu.memory_space<hbm>>
      %dma_wait3A_434 = arith.constant 128 : i32
      %dma_wait3A_435 = tpu.memref_slice %arg20[%dma_wait3A_434] : memref<512xf32, #tpu.memory_space<vmem>> -> memref<128xf32, #tpu.memory_space<vmem>>
      tpu.wait_dma2 semaphore(%run_scoped3A : memref<!tpu.dma_semaphore, #tpu.memory_space<semaphore_mem>>) src(%dma_wait3A_435 : memref<128xf32, #tpu.memory_space<vmem>>) dst(%dma_wait3A_433 : memref<128xf32, #tpu.memory_space<hbm>>)
      tpu.yield
    }) : () -> ()
    %add3A_306 = arith.constant 128 : i32
    %add3A_307 = arith.addi %mul3A_2, %add3A_306 : i32
    "tpu.region"() ({
      %run_scoped3A = tpu.sem_alloc : memref<!tpu.dma_semaphore, #tpu.memory_space<semaphore_mem>>
      %dma_start3A_424 = arith.constant 128 : i32
      %dma_start3A_425 = tpu.memref_slice %arg21[%dma_start3A_424] : memref<512xf32, #tpu.memory_space<vmem>> -> memref<128xf32, #tpu.memory_space<vmem>>
      %dma_start3A_426 = tpu.memref_slice %arg10[%add3A_307] : memref<16384xf32, #tpu.memory_space<hbm>> -> memref<128xf32, #tpu.memory_space<hbm>>
      %dma_start3A_427 = tpu.memref_slice %arg10[%add3A_307] : memref<16384xf32, #tpu.memory_space<hbm>> -> memref<128xf32, #tpu.memory_space<hbm>>
      %dma_start3A_428 = arith.constant 128 : i32
      %dma_start3A_429 = tpu.memref_slice %arg21[%dma_start3A_428] : memref<512xf32, #tpu.memory_space<vmem>> -> memref<128xf32, #tpu.memory_space<vmem>>
      tpu.enqueue_dma source(%dma_start3A_429 : memref<128xf32, #tpu.memory_space<vmem>>) target(%dma_start3A_427 : memref<128xf32, #tpu.memory_space<hbm>>) target_semaphore(%run_scoped3A : memref<!tpu.dma_semaphore, #tpu.memory_space<semaphore_mem>>)
      %dma_wait3A_430 = arith.constant 128 : i32
      %dma_wait3A_431 = tpu.memref_slice %arg21[%dma_wait3A_430] : memref<512xf32, #tpu.memory_space<vmem>> -> memref<128xf32, #tpu.memory_space<vmem>>
      %dma_wait3A_432 = tpu.memref_slice %arg10[%add3A_307] : memref<16384xf32, #tpu.memory_space<hbm>> -> memref<128xf32, #tpu.memory_space<hbm>>
      %dma_wait3A_433 = tpu.memref_slice %arg10[%add3A_307] : memref<16384xf32, #tpu.memory_space<hbm>> -> memref<128xf32, #tpu.memory_space<hbm>>
      %dma_wait3A_434 = arith.constant 128 : i32
      %dma_wait3A_435 = tpu.memref_slice %arg21[%dma_wait3A_434] : memref<512xf32, #tpu.memory_space<vmem>> -> memref<128xf32, #tpu.memory_space<vmem>>
      tpu.wait_dma2 semaphore(%run_scoped3A : memref<!tpu.dma_semaphore, #tpu.memory_space<semaphore_mem>>) src(%dma_wait3A_435 : memref<128xf32, #tpu.memory_space<vmem>>) dst(%dma_wait3A_433 : memref<128xf32, #tpu.memory_space<hbm>>)
      tpu.yield
    }) : () -> ()
    %dma_wait3A_308 = arith.constant 2 : i32
    %dma_wait3A_309 = arith.constant 256 : i32
    %dma_wait3A_310 = tpu.memref_slice %arg14[%dma_wait3A_309] : memref<512xf32, #tpu.memory_space<vmem>> -> memref<128xf32, #tpu.memory_space<vmem>>
    %dma_wait3A_311 = arith.constant 0 : i32
    %dma_wait3A_312 = tpu.memref_slice %arg11[%dma_wait3A_308, %dma_wait3A_311] : memref<4x128xi32, #tpu.memory_space<vmem>> -> memref<1x128xi32, #tpu.memory_space<vmem>>
    %dma_wait3A_313 = tpu.memref_squeeze %dma_wait3A_312 : memref<1x128xi32, #tpu.memory_space<vmem>> -> memref<128xi32, #tpu.memory_space<vmem>>
    %dma_wait3A_314 = arith.constant 0 : i32
    %dma_wait3A_315 = tpu.memref_slice %arg2[%dma_wait3A_314] : memref<1000000xf32, #tpu.memory_space<hbm>> -> memref<1000000xf32, #tpu.memory_space<hbm>>
    tpu.wait_indirect_dma semaphore(%arg22 : memref<!tpu.dma_semaphore, #tpu.memory_space<semaphore_mem>>) src(%dma_wait3A_315 : memref<1000000xf32, #tpu.memory_space<hbm>>) dst(%dma_wait3A_310 : memref<128xf32, #tpu.memory_space<vmem>>)
    %dma_wait3A_316 = arith.constant 2 : i32
    %dma_wait3A_317 = arith.constant 256 : i32
    %dma_wait3A_318 = tpu.memref_slice %arg15[%dma_wait3A_317] : memref<512xf32, #tpu.memory_space<vmem>> -> memref<128xf32, #tpu.memory_space<vmem>>
    %dma_wait3A_319 = arith.constant 0 : i32
    %dma_wait3A_320 = tpu.memref_slice %arg11[%dma_wait3A_316, %dma_wait3A_319] : memref<4x128xi32, #tpu.memory_space<vmem>> -> memref<1x128xi32, #tpu.memory_space<vmem>>
    %dma_wait3A_321 = tpu.memref_squeeze %dma_wait3A_320 : memref<1x128xi32, #tpu.memory_space<vmem>> -> memref<128xi32, #tpu.memory_space<vmem>>
    %dma_wait3A_322 = arith.constant 0 : i32
    %dma_wait3A_323 = tpu.memref_slice %arg3[%dma_wait3A_322] : memref<1000000xf32, #tpu.memory_space<hbm>> -> memref<1000000xf32, #tpu.memory_space<hbm>>
    tpu.wait_indirect_dma semaphore(%arg22 : memref<!tpu.dma_semaphore, #tpu.memory_space<semaphore_mem>>) src(%dma_wait3A_323 : memref<1000000xf32, #tpu.memory_space<hbm>>) dst(%dma_wait3A_318 : memref<128xf32, #tpu.memory_space<vmem>>)
    %dma_wait3A_324 = arith.constant 2 : i32
    %dma_wait3A_325 = arith.constant 256 : i32
    %dma_wait3A_326 = tpu.memref_slice %arg16[%dma_wait3A_325] : memref<512xf32, #tpu.memory_space<vmem>> -> memref<128xf32, #tpu.memory_space<vmem>>
    %dma_wait3A_327 = arith.constant 0 : i32
    %dma_wait3A_328 = tpu.memref_slice %arg13[%dma_wait3A_324, %dma_wait3A_327] : memref<4x128xi32, #tpu.memory_space<vmem>> -> memref<1x128xi32, #tpu.memory_space<vmem>>
    %dma_wait3A_329 = tpu.memref_squeeze %dma_wait3A_328 : memref<1x128xi32, #tpu.memory_space<vmem>> -> memref<128xi32, #tpu.memory_space<vmem>>
    %dma_wait3A_330 = arith.constant 0 : i32
    %dma_wait3A_331 = tpu.memref_slice %arg2[%dma_wait3A_330] : memref<1000000xf32, #tpu.memory_space<hbm>> -> memref<1000000xf32, #tpu.memory_space<hbm>>
    tpu.wait_indirect_dma semaphore(%arg22 : memref<!tpu.dma_semaphore, #tpu.memory_space<semaphore_mem>>) src(%dma_wait3A_331 : memref<1000000xf32, #tpu.memory_space<hbm>>) dst(%dma_wait3A_326 : memref<128xf32, #tpu.memory_space<vmem>>)
    %dma_wait3A_332 = arith.constant 2 : i32
    %dma_wait3A_333 = arith.constant 256 : i32
    %dma_wait3A_334 = tpu.memref_slice %arg17[%dma_wait3A_333] : memref<512xf32, #tpu.memory_space<vmem>> -> memref<128xf32, #tpu.memory_space<vmem>>
    %dma_wait3A_335 = arith.constant 0 : i32
    %dma_wait3A_336 = tpu.memref_slice %arg13[%dma_wait3A_332, %dma_wait3A_335] : memref<4x128xi32, #tpu.memory_space<vmem>> -> memref<1x128xi32, #tpu.memory_space<vmem>>
    %dma_wait3A_337 = tpu.memref_squeeze %dma_wait3A_336 : memref<1x128xi32, #tpu.memory_space<vmem>> -> memref<128xi32, #tpu.memory_space<vmem>>
    %dma_wait3A_338 = arith.constant 0 : i32
    %dma_wait3A_339 = tpu.memref_slice %arg3[%dma_wait3A_338] : memref<1000000xf32, #tpu.memory_space<hbm>> -> memref<1000000xf32, #tpu.memory_space<hbm>>
    tpu.wait_indirect_dma semaphore(%arg22 : memref<!tpu.dma_semaphore, #tpu.memory_space<semaphore_mem>>) src(%dma_wait3A_339 : memref<1000000xf32, #tpu.memory_space<hbm>>) dst(%dma_wait3A_334 : memref<128xf32, #tpu.memory_space<vmem>>)
    %dma_wait3A_340 = arith.constant 2 : i32
    %dma_wait3A_341 = arith.constant 256 : i32
    %dma_wait3A_342 = tpu.memref_slice %arg18[%dma_wait3A_341] : memref<512xf32, #tpu.memory_space<vmem>> -> memref<128xf32, #tpu.memory_space<vmem>>
    %dma_wait3A_343 = arith.constant 0 : i32
    %dma_wait3A_344 = tpu.memref_slice %arg12[%dma_wait3A_340, %dma_wait3A_343] : memref<4x128xi32, #tpu.memory_space<vmem>> -> memref<1x128xi32, #tpu.memory_space<vmem>>
    %dma_wait3A_345 = tpu.memref_squeeze %dma_wait3A_344 : memref<1x128xi32, #tpu.memory_space<vmem>> -> memref<128xi32, #tpu.memory_space<vmem>>
    %dma_wait3A_346 = arith.constant 0 : i32
    %dma_wait3A_347 = tpu.memref_slice %arg4[%dma_wait3A_346] : memref<1000xf32, #tpu.memory_space<hbm>> -> memref<1000xf32, #tpu.memory_space<hbm>>
    tpu.wait_indirect_dma semaphore(%arg22 : memref<!tpu.dma_semaphore, #tpu.memory_space<semaphore_mem>>) src(%dma_wait3A_347 : memref<1000xf32, #tpu.memory_space<hbm>>) dst(%dma_wait3A_342 : memref<128xf32, #tpu.memory_space<vmem>>)
    %dma_wait3A_348 = arith.constant 2 : i32
    %dma_wait3A_349 = arith.constant 256 : i32
    %dma_wait3A_350 = tpu.memref_slice %arg19[%dma_wait3A_349] : memref<512xf32, #tpu.memory_space<vmem>> -> memref<128xf32, #tpu.memory_space<vmem>>
    %dma_wait3A_351 = arith.constant 0 : i32
    %dma_wait3A_352 = tpu.memref_slice %arg12[%dma_wait3A_348, %dma_wait3A_351] : memref<4x128xi32, #tpu.memory_space<vmem>> -> memref<1x128xi32, #tpu.memory_space<vmem>>
    %dma_wait3A_353 = tpu.memref_squeeze %dma_wait3A_352 : memref<1x128xi32, #tpu.memory_space<vmem>> -> memref<128xi32, #tpu.memory_space<vmem>>
    %dma_wait3A_354 = arith.constant 0 : i32
    %dma_wait3A_355 = tpu.memref_slice %arg5[%dma_wait3A_354] : memref<1000xf32, #tpu.memory_space<hbm>> -> memref<1000xf32, #tpu.memory_space<hbm>>
    tpu.wait_indirect_dma semaphore(%arg22 : memref<!tpu.dma_semaphore, #tpu.memory_space<semaphore_mem>>) src(%dma_wait3A_355 : memref<1000xf32, #tpu.memory_space<hbm>>) dst(%dma_wait3A_350 : memref<128xf32, #tpu.memory_space<vmem>>)
    %scan3A_356 = arith.constant 0 : i32
    %scan3A_357 = arith.constant 16 : i32
    %scan3A_358 = arith.constant 8 : i32
    %scan3A_359 = arith.addi %scan3A_357, %scan3A_358 : i32
    %scan3A_360 = arith.constant 1 : i32
    scf.for %scan3A_424 = %scan3A_357 to %scan3A_359 step %scan3A_360  : i32 {
      %mul3A_425 = arith.constant 16 : i32
      %mul3A_426 = arith.muli %scan3A_424, %mul3A_425 : i32
      %multiple_of3A = tpu.assume_multiple %mul3A_426, 16 : i32
      %get3A = arith.index_cast %multiple_of3A : i32 to index
      %get3A_427 = tpu.vector_load %arg14[%get3A] {strides = array<i32>} : memref<512xf32, #tpu.memory_space<vmem>>, vector<16xf32>,
      %get3A_428 = arith.index_cast %multiple_of3A : i32 to index
      %get3A_429 = tpu.vector_load %arg18[%get3A_428] {strides = array<i32>} : memref<512xf32, #tpu.memory_space<vmem>>, vector<16xf32>,
      %add3A_430 = arith.addf %get3A_427, %get3A_429 : vector<16xf32>
      %get3A_431 = arith.index_cast %multiple_of3A : i32 to index
      %get3A_432 = tpu.vector_load %arg16[%get3A_431] {strides = array<i32>} : memref<512xf32, #tpu.memory_space<vmem>>, vector<16xf32>,
      %sub3A = arith.subf %add3A_430, %get3A_432 : vector<16xf32>
      %get3A_433 = arith.index_cast %multiple_of3A : i32 to index
      %get3A_434 = tpu.vector_load %arg15[%get3A_433] {strides = array<i32>} : memref<512xf32, #tpu.memory_space<vmem>>, vector<16xf32>,
      %get3A_435 = arith.index_cast %multiple_of3A : i32 to index
      %get3A_436 = tpu.vector_load %arg19[%get3A_435] {strides = array<i32>} : memref<512xf32, #tpu.memory_space<vmem>>, vector<16xf32>,
      %add3A_437 = arith.addf %get3A_434, %get3A_436 : vector<16xf32>
      %get3A_438 = arith.index_cast %multiple_of3A : i32 to index
      %get3A_439 = tpu.vector_load %arg17[%get3A_438] {strides = array<i32>} : memref<512xf32, #tpu.memory_space<vmem>>, vector<16xf32>,
      %sub3A_440 = arith.subf %add3A_437, %get3A_439 : vector<16xf32>
      %neg3A = arith.constant 0.000000e+00 : f32
      %neg3A_441 = vector.broadcast %neg3A : f32 to vector<16xf32>
      %neg3A_442 = arith.subf %neg3A_441, %sub3A : vector<16xf32>
      %exp3A = math.exp %neg3A_442 : vector<16xf32>
      %add3A_443 = arith.constant 1.000000e+00 : f32
      %add3A_444 = vector.broadcast %add3A_443 : f32 to vector<16xf32>
      %add3A_445 = arith.addf %add3A_444, %exp3A : vector<16xf32>
      %div3A = arith.constant 1.000000e+00 : f32
      %div3A_446 = vector.broadcast %div3A : f32 to vector<16xf32>
      %div3A_447 = arith.divf %div3A_446, %add3A_445 : vector<16xf32>
      %swap3A = arith.index_cast %multiple_of3A : i32 to index
      %swap3A_448 = tpu.vector_load %arg20[%swap3A] {strides = array<i32>} : memref<512xf32, #tpu.memory_space<vmem>>, vector<16xf32>,
      tpu.vector_store %arg20[%swap3A], %div3A_447 {strides = array<i32>} : memref<512xf32, #tpu.memory_space<vmem>>, vector<16xf32>,
      %neg3A_449 = arith.constant 0.000000e+00 : f32
      %neg3A_450 = vector.broadcast %neg3A_449 : f32 to vector<16xf32>
      %neg3A_451 = arith.subf %neg3A_450, %sub3A_440 : vector<16xf32>
      %exp3A_452 = math.exp %neg3A_451 : vector<16xf32>
      %add3A_453 = arith.constant 1.000000e+00 : f32
      %add3A_454 = vector.broadcast %add3A_453 : f32 to vector<16xf32>
      %add3A_455 = arith.addf %add3A_454, %exp3A_452 : vector<16xf32>
      %div3A_456 = arith.constant 1.000000e+00 : f32
      %div3A_457 = vector.broadcast %div3A_456 : f32 to vector<16xf32>
      %div3A_458 = arith.divf %div3A_457, %add3A_455 : vector<16xf32>
      %swap3A_459 = arith.index_cast %multiple_of3A : i32 to index
      %swap3A_460 = tpu.vector_load %arg21[%swap3A_459] {strides = array<i32>} : memref<512xf32, #tpu.memory_space<vmem>>, vector<16xf32>,
      tpu.vector_store %arg21[%swap3A_459], %div3A_458 {strides = array<i32>} : memref<512xf32, #tpu.memory_space<vmem>>, vector<16xf32>,
    }
    %scan3A_361 = arith.constant 8 : i32
    %add3A_362 = arith.constant 256 : i32
    %add3A_363 = arith.addi %mul3A_2, %add3A_362 : i32
    "tpu.region"() ({
      %run_scoped3A = tpu.sem_alloc : memref<!tpu.dma_semaphore, #tpu.memory_space<semaphore_mem>>
      %dma_start3A_424 = arith.constant 256 : i32
      %dma_start3A_425 = tpu.memref_slice %arg20[%dma_start3A_424] : memref<512xf32, #tpu.memory_space<vmem>> -> memref<128xf32, #tpu.memory_space<vmem>>
      %dma_start3A_426 = tpu.memref_slice %arg9[%add3A_363] : memref<16384xf32, #tpu.memory_space<hbm>> -> memref<128xf32, #tpu.memory_space<hbm>>
      %dma_start3A_427 = tpu.memref_slice %arg9[%add3A_363] : memref<16384xf32, #tpu.memory_space<hbm>> -> memref<128xf32, #tpu.memory_space<hbm>>
      %dma_start3A_428 = arith.constant 256 : i32
      %dma_start3A_429 = tpu.memref_slice %arg20[%dma_start3A_428] : memref<512xf32, #tpu.memory_space<vmem>> -> memref<128xf32, #tpu.memory_space<vmem>>
      tpu.enqueue_dma source(%dma_start3A_429 : memref<128xf32, #tpu.memory_space<vmem>>) target(%dma_start3A_427 : memref<128xf32, #tpu.memory_space<hbm>>) target_semaphore(%run_scoped3A : memref<!tpu.dma_semaphore, #tpu.memory_space<semaphore_mem>>)
      %dma_wait3A_430 = arith.constant 256 : i32
      %dma_wait3A_431 = tpu.memref_slice %arg20[%dma_wait3A_430] : memref<512xf32, #tpu.memory_space<vmem>> -> memref<128xf32, #tpu.memory_space<vmem>>
      %dma_wait3A_432 = tpu.memref_slice %arg9[%add3A_363] : memref<16384xf32, #tpu.memory_space<hbm>> -> memref<128xf32, #tpu.memory_space<hbm>>
      %dma_wait3A_433 = tpu.memref_slice %arg9[%add3A_363] : memref<16384xf32, #tpu.memory_space<hbm>> -> memref<128xf32, #tpu.memory_space<hbm>>
      %dma_wait3A_434 = arith.constant 256 : i32
      %dma_wait3A_435 = tpu.memref_slice %arg20[%dma_wait3A_434] : memref<512xf32, #tpu.memory_space<vmem>> -> memref<128xf32, #tpu.memory_space<vmem>>
      tpu.wait_dma2 semaphore(%run_scoped3A : memref<!tpu.dma_semaphore, #tpu.memory_space<semaphore_mem>>) src(%dma_wait3A_435 : memref<128xf32, #tpu.memory_space<vmem>>) dst(%dma_wait3A_433 : memref<128xf32, #tpu.memory_space<hbm>>)
      tpu.yield
    }) : () -> ()
    %add3A_364 = arith.constant 256 : i32
    %add3A_365 = arith.addi %mul3A_2, %add3A_364 : i32
    "tpu.region"() ({
      %run_scoped3A = tpu.sem_alloc : memref<!tpu.dma_semaphore, #tpu.memory_space<semaphore_mem>>
      %dma_start3A_424 = arith.constant 256 : i32
      %dma_start3A_425 = tpu.memref_slice %arg21[%dma_start3A_424] : memref<512xf32, #tpu.memory_space<vmem>> -> memref<128xf32, #tpu.memory_space<vmem>>
      %dma_start3A_426 = tpu.memref_slice %arg10[%add3A_365] : memref<16384xf32, #tpu.memory_space<hbm>> -> memref<128xf32, #tpu.memory_space<hbm>>
      %dma_start3A_427 = tpu.memref_slice %arg10[%add3A_365] : memref<16384xf32, #tpu.memory_space<hbm>> -> memref<128xf32, #tpu.memory_space<hbm>>
      %dma_start3A_428 = arith.constant 256 : i32
      %dma_start3A_429 = tpu.memref_slice %arg21[%dma_start3A_428] : memref<512xf32, #tpu.memory_space<vmem>> -> memref<128xf32, #tpu.memory_space<vmem>>
      tpu.enqueue_dma source(%dma_start3A_429 : memref<128xf32, #tpu.memory_space<vmem>>) target(%dma_start3A_427 : memref<128xf32, #tpu.memory_space<hbm>>) target_semaphore(%run_scoped3A : memref<!tpu.dma_semaphore, #tpu.memory_space<semaphore_mem>>)
      %dma_wait3A_430 = arith.constant 256 : i32
      %dma_wait3A_431 = tpu.memref_slice %arg21[%dma_wait3A_430] : memref<512xf32, #tpu.memory_space<vmem>> -> memref<128xf32, #tpu.memory_space<vmem>>
      %dma_wait3A_432 = tpu.memref_slice %arg10[%add3A_365] : memref<16384xf32, #tpu.memory_space<hbm>> -> memref<128xf32, #tpu.memory_space<hbm>>
      %dma_wait3A_433 = tpu.memref_slice %arg10[%add3A_365] : memref<16384xf32, #tpu.memory_space<hbm>> -> memref<128xf32, #tpu.memory_space<hbm>>
      %dma_wait3A_434 = arith.constant 256 : i32
      %dma_wait3A_435 = tpu.memref_slice %arg21[%dma_wait3A_434] : memref<512xf32, #tpu.memory_space<vmem>> -> memref<128xf32, #tpu.memory_space<vmem>>
      tpu.wait_dma2 semaphore(%run_scoped3A : memref<!tpu.dma_semaphore, #tpu.memory_space<semaphore_mem>>) src(%dma_wait3A_435 : memref<128xf32, #tpu.memory_space<vmem>>) dst(%dma_wait3A_433 : memref<128xf32, #tpu.memory_space<hbm>>)
      tpu.yield
    }) : () -> ()
    %dma_wait3A_366 = arith.constant 3 : i32
    %dma_wait3A_367 = arith.constant 384 : i32
    %dma_wait3A_368 = tpu.memref_slice %arg14[%dma_wait3A_367] : memref<512xf32, #tpu.memory_space<vmem>> -> memref<128xf32, #tpu.memory_space<vmem>>
    %dma_wait3A_369 = arith.constant 0 : i32
    %dma_wait3A_370 = tpu.memref_slice %arg11[%dma_wait3A_366, %dma_wait3A_369] : memref<4x128xi32, #tpu.memory_space<vmem>> -> memref<1x128xi32, #tpu.memory_space<vmem>>
    %dma_wait3A_371 = tpu.memref_squeeze %dma_wait3A_370 : memref<1x128xi32, #tpu.memory_space<vmem>> -> memref<128xi32, #tpu.memory_space<vmem>>
    %dma_wait3A_372 = arith.constant 0 : i32
    %dma_wait3A_373 = tpu.memref_slice %arg2[%dma_wait3A_372] : memref<1000000xf32, #tpu.memory_space<hbm>> -> memref<1000000xf32, #tpu.memory_space<hbm>>
    tpu.wait_indirect_dma semaphore(%arg22 : memref<!tpu.dma_semaphore, #tpu.memory_space<semaphore_mem>>) src(%dma_wait3A_373 : memref<1000000xf32, #tpu.memory_space<hbm>>) dst(%dma_wait3A_368 : memref<128xf32, #tpu.memory_space<vmem>>)
    %dma_wait3A_374 = arith.constant 3 : i32
    %dma_wait3A_375 = arith.constant 384 : i32
    %dma_wait3A_376 = tpu.memref_slice %arg15[%dma_wait3A_375] : memref<512xf32, #tpu.memory_space<vmem>> -> memref<128xf32, #tpu.memory_space<vmem>>
    %dma_wait3A_377 = arith.constant 0 : i32
    %dma_wait3A_378 = tpu.memref_slice %arg11[%dma_wait3A_374, %dma_wait3A_377] : memref<4x128xi32, #tpu.memory_space<vmem>> -> memref<1x128xi32, #tpu.memory_space<vmem>>
    %dma_wait3A_379 = tpu.memref_squeeze %dma_wait3A_378 : memref<1x128xi32, #tpu.memory_space<vmem>> -> memref<128xi32, #tpu.memory_space<vmem>>
    %dma_wait3A_380 = arith.constant 0 : i32
    %dma_wait3A_381 = tpu.memref_slice %arg3[%dma_wait3A_380] : memref<1000000xf32, #tpu.memory_space<hbm>> -> memref<1000000xf32, #tpu.memory_space<hbm>>
    tpu.wait_indirect_dma semaphore(%arg22 : memref<!tpu.dma_semaphore, #tpu.memory_space<semaphore_mem>>) src(%dma_wait3A_381 : memref<1000000xf32, #tpu.memory_space<hbm>>) dst(%dma_wait3A_376 : memref<128xf32, #tpu.memory_space<vmem>>)
    %dma_wait3A_382 = arith.constant 3 : i32
    %dma_wait3A_383 = arith.constant 384 : i32
    %dma_wait3A_384 = tpu.memref_slice %arg16[%dma_wait3A_383] : memref<512xf32, #tpu.memory_space<vmem>> -> memref<128xf32, #tpu.memory_space<vmem>>
    %dma_wait3A_385 = arith.constant 0 : i32
    %dma_wait3A_386 = tpu.memref_slice %arg13[%dma_wait3A_382, %dma_wait3A_385] : memref<4x128xi32, #tpu.memory_space<vmem>> -> memref<1x128xi32, #tpu.memory_space<vmem>>
    %dma_wait3A_387 = tpu.memref_squeeze %dma_wait3A_386 : memref<1x128xi32, #tpu.memory_space<vmem>> -> memref<128xi32, #tpu.memory_space<vmem>>
    %dma_wait3A_388 = arith.constant 0 : i32
    %dma_wait3A_389 = tpu.memref_slice %arg2[%dma_wait3A_388] : memref<1000000xf32, #tpu.memory_space<hbm>> -> memref<1000000xf32, #tpu.memory_space<hbm>>
    tpu.wait_indirect_dma semaphore(%arg22 : memref<!tpu.dma_semaphore, #tpu.memory_space<semaphore_mem>>) src(%dma_wait3A_389 : memref<1000000xf32, #tpu.memory_space<hbm>>) dst(%dma_wait3A_384 : memref<128xf32, #tpu.memory_space<vmem>>)
    %dma_wait3A_390 = arith.constant 3 : i32
    %dma_wait3A_391 = arith.constant 384 : i32
    %dma_wait3A_392 = tpu.memref_slice %arg17[%dma_wait3A_391] : memref<512xf32, #tpu.memory_space<vmem>> -> memref<128xf32, #tpu.memory_space<vmem>>
    %dma_wait3A_393 = arith.constant 0 : i32
    %dma_wait3A_394 = tpu.memref_slice %arg13[%dma_wait3A_390, %dma_wait3A_393] : memref<4x128xi32, #tpu.memory_space<vmem>> -> memref<1x128xi32, #tpu.memory_space<vmem>>
    %dma_wait3A_395 = tpu.memref_squeeze %dma_wait3A_394 : memref<1x128xi32, #tpu.memory_space<vmem>> -> memref<128xi32, #tpu.memory_space<vmem>>
    %dma_wait3A_396 = arith.constant 0 : i32
    %dma_wait3A_397 = tpu.memref_slice %arg3[%dma_wait3A_396] : memref<1000000xf32, #tpu.memory_space<hbm>> -> memref<1000000xf32, #tpu.memory_space<hbm>>
    tpu.wait_indirect_dma semaphore(%arg22 : memref<!tpu.dma_semaphore, #tpu.memory_space<semaphore_mem>>) src(%dma_wait3A_397 : memref<1000000xf32, #tpu.memory_space<hbm>>) dst(%dma_wait3A_392 : memref<128xf32, #tpu.memory_space<vmem>>)
    %dma_wait3A_398 = arith.constant 3 : i32
    %dma_wait3A_399 = arith.constant 384 : i32
    %dma_wait3A_400 = tpu.memref_slice %arg18[%dma_wait3A_399] : memref<512xf32, #tpu.memory_space<vmem>> -> memref<128xf32, #tpu.memory_space<vmem>>
    %dma_wait3A_401 = arith.constant 0 : i32
    %dma_wait3A_402 = tpu.memref_slice %arg12[%dma_wait3A_398, %dma_wait3A_401] : memref<4x128xi32, #tpu.memory_space<vmem>> -> memref<1x128xi32, #tpu.memory_space<vmem>>
    %dma_wait3A_403 = tpu.memref_squeeze %dma_wait3A_402 : memref<1x128xi32, #tpu.memory_space<vmem>> -> memref<128xi32, #tpu.memory_space<vmem>>
    %dma_wait3A_404 = arith.constant 0 : i32
    %dma_wait3A_405 = tpu.memref_slice %arg4[%dma_wait3A_404] : memref<1000xf32, #tpu.memory_space<hbm>> -> memref<1000xf32, #tpu.memory_space<hbm>>
    tpu.wait_indirect_dma semaphore(%arg22 : memref<!tpu.dma_semaphore, #tpu.memory_space<semaphore_mem>>) src(%dma_wait3A_405 : memref<1000xf32, #tpu.memory_space<hbm>>) dst(%dma_wait3A_400 : memref<128xf32, #tpu.memory_space<vmem>>)
    %dma_wait3A_406 = arith.constant 3 : i32
    %dma_wait3A_407 = arith.constant 384 : i32
    %dma_wait3A_408 = tpu.memref_slice %arg19[%dma_wait3A_407] : memref<512xf32, #tpu.memory_space<vmem>> -> memref<128xf32, #tpu.memory_space<vmem>>
    %dma_wait3A_409 = arith.constant 0 : i32
    %dma_wait3A_410 = tpu.memref_slice %arg12[%dma_wait3A_406, %dma_wait3A_409] : memref<4x128xi32, #tpu.memory_space<vmem>> -> memref<1x128xi32, #tpu.memory_space<vmem>>
    %dma_wait3A_411 = tpu.memref_squeeze %dma_wait3A_410 : memref<1x128xi32, #tpu.memory_space<vmem>> -> memref<128xi32, #tpu.memory_space<vmem>>
    %dma_wait3A_412 = arith.constant 0 : i32
    %dma_wait3A_413 = tpu.memref_slice %arg5[%dma_wait3A_412] : memref<1000xf32, #tpu.memory_space<hbm>> -> memref<1000xf32, #tpu.memory_space<hbm>>
    tpu.wait_indirect_dma semaphore(%arg22 : memref<!tpu.dma_semaphore, #tpu.memory_space<semaphore_mem>>) src(%dma_wait3A_413 : memref<1000xf32, #tpu.memory_space<hbm>>) dst(%dma_wait3A_408 : memref<128xf32, #tpu.memory_space<vmem>>)
    %scan3A_414 = arith.constant 0 : i32
    %scan3A_415 = arith.constant 24 : i32
    %scan3A_416 = arith.constant 8 : i32
    %scan3A_417 = arith.addi %scan3A_415, %scan3A_416 : i32
    %scan3A_418 = arith.constant 1 : i32
    scf.for %scan3A_424 = %scan3A_415 to %scan3A_417 step %scan3A_418  : i32 {
      %mul3A_425 = arith.constant 16 : i32
      %mul3A_426 = arith.muli %scan3A_424, %mul3A_425 : i32
      %multiple_of3A = tpu.assume_multiple %mul3A_426, 16 : i32
      %get3A = arith.index_cast %multiple_of3A : i32 to index
      %get3A_427 = tpu.vector_load %arg14[%get3A] {strides = array<i32>} : memref<512xf32, #tpu.memory_space<vmem>>, vector<16xf32>,
      %get3A_428 = arith.index_cast %multiple_of3A : i32 to index
      %get3A_429 = tpu.vector_load %arg18[%get3A_428] {strides = array<i32>} : memref<512xf32, #tpu.memory_space<vmem>>, vector<16xf32>,
      %add3A_430 = arith.addf %get3A_427, %get3A_429 : vector<16xf32>
      %get3A_431 = arith.index_cast %multiple_of3A : i32 to index
      %get3A_432 = tpu.vector_load %arg16[%get3A_431] {strides = array<i32>} : memref<512xf32, #tpu.memory_space<vmem>>, vector<16xf32>,
      %sub3A = arith.subf %add3A_430, %get3A_432 : vector<16xf32>
      %get3A_433 = arith.index_cast %multiple_of3A : i32 to index
      %get3A_434 = tpu.vector_load %arg15[%get3A_433] {strides = array<i32>} : memref<512xf32, #tpu.memory_space<vmem>>, vector<16xf32>,
      %get3A_435 = arith.index_cast %multiple_of3A : i32 to index
      %get3A_436 = tpu.vector_load %arg19[%get3A_435] {strides = array<i32>} : memref<512xf32, #tpu.memory_space<vmem>>, vector<16xf32>,
      %add3A_437 = arith.addf %get3A_434, %get3A_436 : vector<16xf32>
      %get3A_438 = arith.index_cast %multiple_of3A : i32 to index
      %get3A_439 = tpu.vector_load %arg17[%get3A_438] {strides = array<i32>} : memref<512xf32, #tpu.memory_space<vmem>>, vector<16xf32>,
      %sub3A_440 = arith.subf %add3A_437, %get3A_439 : vector<16xf32>
      %neg3A = arith.constant 0.000000e+00 : f32
      %neg3A_441 = vector.broadcast %neg3A : f32 to vector<16xf32>
      %neg3A_442 = arith.subf %neg3A_441, %sub3A : vector<16xf32>
      %exp3A = math.exp %neg3A_442 : vector<16xf32>
      %add3A_443 = arith.constant 1.000000e+00 : f32
      %add3A_444 = vector.broadcast %add3A_443 : f32 to vector<16xf32>
      %add3A_445 = arith.addf %add3A_444, %exp3A : vector<16xf32>
      %div3A = arith.constant 1.000000e+00 : f32
      %div3A_446 = vector.broadcast %div3A : f32 to vector<16xf32>
      %div3A_447 = arith.divf %div3A_446, %add3A_445 : vector<16xf32>
      %swap3A = arith.index_cast %multiple_of3A : i32 to index
      %swap3A_448 = tpu.vector_load %arg20[%swap3A] {strides = array<i32>} : memref<512xf32, #tpu.memory_space<vmem>>, vector<16xf32>,
      tpu.vector_store %arg20[%swap3A], %div3A_447 {strides = array<i32>} : memref<512xf32, #tpu.memory_space<vmem>>, vector<16xf32>,
      %neg3A_449 = arith.constant 0.000000e+00 : f32
      %neg3A_450 = vector.broadcast %neg3A_449 : f32 to vector<16xf32>
      %neg3A_451 = arith.subf %neg3A_450, %sub3A_440 : vector<16xf32>
      %exp3A_452 = math.exp %neg3A_451 : vector<16xf32>
      %add3A_453 = arith.constant 1.000000e+00 : f32
      %add3A_454 = vector.broadcast %add3A_453 : f32 to vector<16xf32>
      %add3A_455 = arith.addf %add3A_454, %exp3A_452 : vector<16xf32>
      %div3A_456 = arith.constant 1.000000e+00 : f32
      %div3A_457 = vector.broadcast %div3A_456 : f32 to vector<16xf32>
      %div3A_458 = arith.divf %div3A_457, %add3A_455 : vector<16xf32>
      %swap3A_459 = arith.index_cast %multiple_of3A : i32 to index
      %swap3A_460 = tpu.vector_load %arg21[%swap3A_459] {strides = array<i32>} : memref<512xf32, #tpu.memory_space<vmem>>, vector<16xf32>,
      tpu.vector_store %arg21[%swap3A_459], %div3A_458 {strides = array<i32>} : memref<512xf32, #tpu.memory_space<vmem>>, vector<16xf32>,
    }
    %scan3A_419 = arith.constant 8 : i32
    %add3A_420 = arith.constant 384 : i32
    %add3A_421 = arith.addi %mul3A_2, %add3A_420 : i32
    "tpu.region"() ({
      %run_scoped3A = tpu.sem_alloc : memref<!tpu.dma_semaphore, #tpu.memory_space<semaphore_mem>>
      %dma_start3A_424 = arith.constant 384 : i32
      %dma_start3A_425 = tpu.memref_slice %arg20[%dma_start3A_424] : memref<512xf32, #tpu.memory_space<vmem>> -> memref<128xf32, #tpu.memory_space<vmem>>
      %dma_start3A_426 = tpu.memref_slice %arg9[%add3A_421] : memref<16384xf32, #tpu.memory_space<hbm>> -> memref<128xf32, #tpu.memory_space<hbm>>
      %dma_start3A_427 = tpu.memref_slice %arg9[%add3A_421] : memref<16384xf32, #tpu.memory_space<hbm>> -> memref<128xf32, #tpu.memory_space<hbm>>
      %dma_start3A_428 = arith.constant 384 : i32
      %dma_start3A_429 = tpu.memref_slice %arg20[%dma_start3A_428] : memref<512xf32, #tpu.memory_space<vmem>> -> memref<128xf32, #tpu.memory_space<vmem>>
      tpu.enqueue_dma source(%dma_start3A_429 : memref<128xf32, #tpu.memory_space<vmem>>) target(%dma_start3A_427 : memref<128xf32, #tpu.memory_space<hbm>>) target_semaphore(%run_scoped3A : memref<!tpu.dma_semaphore, #tpu.memory_space<semaphore_mem>>)
      %dma_wait3A_430 = arith.constant 384 : i32
      %dma_wait3A_431 = tpu.memref_slice %arg20[%dma_wait3A_430] : memref<512xf32, #tpu.memory_space<vmem>> -> memref<128xf32, #tpu.memory_space<vmem>>
      %dma_wait3A_432 = tpu.memref_slice %arg9[%add3A_421] : memref<16384xf32, #tpu.memory_space<hbm>> -> memref<128xf32, #tpu.memory_space<hbm>>
      %dma_wait3A_433 = tpu.memref_slice %arg9[%add3A_421] : memref<16384xf32, #tpu.memory_space<hbm>> -> memref<128xf32, #tpu.memory_space<hbm>>
      %dma_wait3A_434 = arith.constant 384 : i32
      %dma_wait3A_435 = tpu.memref_slice %arg20[%dma_wait3A_434] : memref<512xf32, #tpu.memory_space<vmem>> -> memref<128xf32, #tpu.memory_space<vmem>>
      tpu.wait_dma2 semaphore(%run_scoped3A : memref<!tpu.dma_semaphore, #tpu.memory_space<semaphore_mem>>) src(%dma_wait3A_435 : memref<128xf32, #tpu.memory_space<vmem>>) dst(%dma_wait3A_433 : memref<128xf32, #tpu.memory_space<hbm>>)
      tpu.yield
    }) : () -> ()
    %add3A_422 = arith.constant 384 : i32
    %add3A_423 = arith.addi %mul3A_2, %add3A_422 : i32
    "tpu.region"() ({
      %run_scoped3A = tpu.sem_alloc : memref<!tpu.dma_semaphore, #tpu.memory_space<semaphore_mem>>
      %dma_start3A_424 = arith.constant 384 : i32
      %dma_start3A_425 = tpu.memref_slice %arg21[%dma_start3A_424] : memref<512xf32, #tpu.memory_space<vmem>> -> memref<128xf32, #tpu.memory_space<vmem>>
      %dma_start3A_426 = tpu.memref_slice %arg10[%add3A_423] : memref<16384xf32, #tpu.memory_space<hbm>> -> memref<128xf32, #tpu.memory_space<hbm>>
      %dma_start3A_427 = tpu.memref_slice %arg10[%add3A_423] : memref<16384xf32, #tpu.memory_space<hbm>> -> memref<128xf32, #tpu.memory_space<hbm>>
      %dma_start3A_428 = arith.constant 384 : i32
      %dma_start3A_429 = tpu.memref_slice %arg21[%dma_start3A_428] : memref<512xf32, #tpu.memory_space<vmem>> -> memref<128xf32, #tpu.memory_space<vmem>>
      tpu.enqueue_dma source(%dma_start3A_429 : memref<128xf32, #tpu.memory_space<vmem>>) target(%dma_start3A_427 : memref<128xf32, #tpu.memory_space<hbm>>) target_semaphore(%run_scoped3A : memref<!tpu.dma_semaphore, #tpu.memory_space<semaphore_mem>>)
      %dma_wait3A_430 = arith.constant 384 : i32
      %dma_wait3A_431 = tpu.memref_slice %arg21[%dma_wait3A_430] : memref<512xf32, #tpu.memory_space<vmem>> -> memref<128xf32, #tpu.memory_space<vmem>>
      %dma_wait3A_432 = tpu.memref_slice %arg10[%add3A_423] : memref<16384xf32, #tpu.memory_space<hbm>> -> memref<128xf32, #tpu.memory_space<hbm>>
      %dma_wait3A_433 = tpu.memref_slice %arg10[%add3A_423] : memref<16384xf32, #tpu.memory_space<hbm>> -> memref<128xf32, #tpu.memory_space<hbm>>
      %dma_wait3A_434 = arith.constant 384 : i32
      %dma_wait3A_435 = tpu.memref_slice %arg21[%dma_wait3A_434] : memref<512xf32, #tpu.memory_space<vmem>> -> memref<128xf32, #tpu.memory_space<vmem>>
      tpu.wait_dma2 semaphore(%run_scoped3A : memref<!tpu.dma_semaphore, #tpu.memory_space<semaphore_mem>>) src(%dma_wait3A_435 : memref<128xf32, #tpu.memory_space<vmem>>) dst(%dma_wait3A_433 : memref<128xf32, #tpu.memory_space<hbm>>)
      tpu.yield
    }) : () -> ()
    return
  }
}

module attributes {stable_mosaic.version = 14 : i64} {
  func.func @_proj_body(%arg0: i32, %arg1: memref<2x64xf32, #tpu.memory_space<vmem>>, %arg2: memref<64x32768xf32, #tpu.memory_space<vmem>>, %arg3: memref<64x1000xf32, #tpu.memory_space<vmem>>, %arg4: memref<2x1xf32, #tpu.memory_space<vmem>>, %arg5: memref<32768xf32, #tpu.memory_space<vmem>>, %arg6: memref<32768xf32, #tpu.memory_space<vmem>>, %arg7: memref<1000xf32, #tpu.memory_space<vmem>>, %arg8: memref<1000xf32, #tpu.memory_space<vmem>>) attributes {dimension_semantics = [#tpu.dimension_semantics<arbitrary>], iteration_bounds = array<i64: 31>, scalar_prefetch = 0 : i64, scratch_operands = 0 : i64, tpu.core_type = #tpu.core_type<tc>, window_params = [{pipeline_mode = #tpu.pipeline_mode<synchronous>, transform_indices = @transform_0, window_bounds = array<i64: 2, 64>}, {transform_indices = @transform_1, window_bounds = array<i64: 64, 32768>}, {pipeline_mode = #tpu.pipeline_mode<synchronous>, transform_indices = @transform_2, window_bounds = array<i64: 64, 1000>}, {pipeline_mode = #tpu.pipeline_mode<synchronous>, transform_indices = @transform_3, window_bounds = array<i64: 2, 1>}, {transform_indices = @transform_4, window_bounds = array<i64: 32768>}, {transform_indices = @transform_5, window_bounds = array<i64: 32768>}, {pipeline_mode = #tpu.pipeline_mode<synchronous>, transform_indices = @transform_6, window_bounds = array<i64: 1000>}, {pipeline_mode = #tpu.pipeline_mode<synchronous>, transform_indices = @transform_7, window_bounds = array<i64: 1000>}]} {
    %get3A = arith.constant 0 : index
    %get3A_0 = arith.constant 0 : index
    %get3A_1 = vector.load %arg1[%get3A, %get3A_0] : memref<2x64xf32, #tpu.memory_space<vmem>>, vector<2x64xf32>
    %get3A_2 = arith.constant 0 : index
    %get3A_3 = arith.constant 0 : index
    %get3A_4 = vector.load %arg2[%get3A_2, %get3A_3] : memref<64x32768xf32, #tpu.memory_space<vmem>>, vector<64x32768xf32>
    %dot_general3A = arith.constant dense<0.000000e+00> : vector<2x32768xf32>
    %dot_general3A_5 = tpu.matmul %get3A_1, %get3A_4, %dot_general3A {dimension_numbers = #tpu.dot_dimension_numbers<[1], [0], [0], [1], [0, 0, 1, 1], [], []>, transpose_lhs_hint = false} : vector<2x64xf32>, vector<64x32768xf32>, vector<2x32768xf32> -> vector<2x32768xf32>
    %slice3A = vector.extract_strided_slice %dot_general3A_5 {offsets = [0, 0], sizes = [1, 32768], strides = [1, 1]} : vector<2x32768xf32> to vector<1x32768xf32>
    %squeeze3A = vector.shape_cast %slice3A : vector<1x32768xf32> to vector<32768xf32>
    %swap3A = arith.constant 0 : index
    %swap3A_6 = vector.load %arg5[%swap3A] : memref<32768xf32, #tpu.memory_space<vmem>>, vector<32768xf32>
    tpu.vector_store %arg5[%swap3A], %squeeze3A {strides = array<i32>} : memref<32768xf32, #tpu.memory_space<vmem>>, vector<32768xf32>,
    %slice3A_7 = vector.extract_strided_slice %dot_general3A_5 {offsets = [1, 0], sizes = [1, 32768], strides = [1, 1]} : vector<2x32768xf32> to vector<1x32768xf32>
    %squeeze3A_8 = vector.shape_cast %slice3A_7 : vector<1x32768xf32> to vector<32768xf32>
    %swap3A_9 = arith.constant 0 : index
    %swap3A_10 = vector.load %arg6[%swap3A_9] : memref<32768xf32, #tpu.memory_space<vmem>>, vector<32768xf32>
    tpu.vector_store %arg6[%swap3A_9], %squeeze3A_8 {strides = array<i32>} : memref<32768xf32, #tpu.memory_space<vmem>>, vector<32768xf32>,
    %eq3A = arith.constant 0 : i32
    %eq3A_11 = arith.cmpi eq, %arg0, %eq3A : i32
    %convert_element_type3A = arith.extui %eq3A_11 : i1 to i32
    %cond3A = arith.constant 0 : i32
    %cond3A_12 = arith.cmpi ne, %convert_element_type3A, %cond3A : i32
    scf.if %cond3A_12 {
      %get3A_13 = arith.constant 0 : index
      %get3A_14 = arith.constant 0 : index
      %get3A_15 = vector.load %arg1[%get3A_13, %get3A_14] : memref<2x64xf32, #tpu.memory_space<vmem>>, vector<2x64xf32>
      %get3A_16 = arith.constant 0 : index
      %get3A_17 = arith.constant 0 : index
      %get3A_18 = vector.load %arg3[%get3A_16, %get3A_17] : memref<64x1000xf32, #tpu.memory_space<vmem>>, vector<64x1000xf32>
      %dot_general3A_19 = arith.constant dense<0.000000e+00> : vector<2x1000xf32>
      %dot_general3A_20 = tpu.matmul %get3A_15, %get3A_18, %dot_general3A_19 {dimension_numbers = #tpu.dot_dimension_numbers<[1], [0], [0], [1], [0, 0, 1, 1], [], []>, transpose_lhs_hint = false} : vector<2x64xf32>, vector<64x1000xf32>, vector<2x1000xf32> -> vector<2x1000xf32>
      %get3A_21 = arith.constant 0 : index
      %get3A_22 = arith.constant 0 : index
      %get3A_23 = vector.load %arg4[%get3A_21, %get3A_22] : memref<2x1xf32, #tpu.memory_space<vmem>>, vector<2x1xf32>
      %add3A = vector.broadcast %get3A_23 : vector<2x1xf32> to vector<2x1000xf32>
      %add3A_24 = arith.addf %dot_general3A_20, %add3A : vector<2x1000xf32>
      %slice3A_25 = vector.extract_strided_slice %add3A_24 {offsets = [0, 0], sizes = [1, 1000], strides = [1, 1]} : vector<2x1000xf32> to vector<1x1000xf32>
      %squeeze3A_26 = vector.shape_cast %slice3A_25 : vector<1x1000xf32> to vector<1000xf32>
      %swap3A_27 = arith.constant 0 : index
      %swap3A_28 = vector.load %arg7[%swap3A_27] : memref<1000xf32, #tpu.memory_space<vmem>>, vector<1000xf32>
      tpu.vector_store %arg7[%swap3A_27], %squeeze3A_26 {strides = array<i32>} : memref<1000xf32, #tpu.memory_space<vmem>>, vector<1000xf32>,
      %slice3A_29 = vector.extract_strided_slice %add3A_24 {offsets = [1, 0], sizes = [1, 1000], strides = [1, 1]} : vector<2x1000xf32> to vector<1x1000xf32>
      %squeeze3A_30 = vector.shape_cast %slice3A_29 : vector<1x1000xf32> to vector<1000xf32>
      %swap3A_31 = arith.constant 0 : index
      %swap3A_32 = vector.load %arg8[%swap3A_31] : memref<1000xf32, #tpu.memory_space<vmem>>, vector<1000xf32>
      tpu.vector_store %arg8[%swap3A_31], %squeeze3A_30 {strides = array<i32>} : memref<1000xf32, #tpu.memory_space<vmem>>, vector<1000xf32>,
    } else {
    }
    return
  }
  func.func @transform_0(%arg0: i32) -> (i32, i32) {
    %c0_i32 = arith.constant 0 : i32
    %c0_i32_0 = arith.constant 0 : i32
    %c0_i32_1 = arith.constant 0 : i32
    return %c0_i32, %c0_i32_0 : i32, i32
  }
  func.func @transform_1(%arg0: i32) -> (i32, i32) {
    %c0_i32 = arith.constant 0 : i32
    %c0_i32_0 = arith.constant 0 : i32
    return %c0_i32, %arg0 : i32, i32
  }
  func.func @transform_2(%arg0: i32) -> (i32, i32) {
    %c0_i32 = arith.constant 0 : i32
    %c0_i32_0 = arith.constant 0 : i32
    %c0_i32_1 = arith.constant 0 : i32
    return %c0_i32, %c0_i32_0 : i32, i32
  }
  func.func @transform_3(%arg0: i32) -> (i32, i32) {
    %c0_i32 = arith.constant 0 : i32
    %c0_i32_0 = arith.constant 0 : i32
    %c0_i32_1 = arith.constant 0 : i32
    return %c0_i32, %c0_i32_0 : i32, i32
  }
  func.func @transform_4(%arg0: i32) -> i32 {
    %c0_i32 = arith.constant 0 : i32
    return %arg0 : i32
  }
  func.func @transform_5(%arg0: i32) -> i32 {
    %c0_i32 = arith.constant 0 : i32
    return %arg0 : i32
  }
  func.func @transform_6(%arg0: i32) -> i32 {
    %c0_i32 = arith.constant 0 : i32
    %c0_i32_0 = arith.constant 0 : i32
    return %c0_i32 : i32
  }
  func.func @transform_7(%arg0: i32) -> i32 {
    %c0_i32 = arith.constant 0 : i32
    %c0_i32_0 = arith.constant 0 : i32
    return %c0_i32 : i32
  }
}

</mosaic_0001>

<sc_bundles>
// kernel: transe_sc.3.cloned.1.call-start
scs
__scs_entry_jumppad:
0x0: {  	(pc) =	sbr.rel $0x88, $3  }
0x1: {  	(tag) =	ssettag $0x0;
	lr =	simm.s32 $0x1  }
0x2: {  	[smem:$0x3F9A] =	sst lr;
	_ =	strace $0xD0000000  }
0x3: {  	_ = 	snop  }
0x4: {  	_ = 	snop  }
0x5: {  	_ = 	snop  }
0x6: {  	_ = 	snop  }
0x7: {  	_ = 	snop  }
__scs_overlays_trampoline_lowered:
0x8: {  	[smem:$0x3FA9] =	sst s0  }
0x9: {  	[smem:$0x3FAA] =	sst s1  }
0xa: {  	[smem:$0x3FAB] =	sst s2  }
0xb: {  	[smem:$0x3FAC] =	sst s3  }
0xc: {  	[smem:$0x3FAD] =	sst s4  }
0xd: {  	[smem:$0x3FAE] =	sst s5  }
0xe: {  	[smem:$0x3FAF] =	sst s6  }
0xf: {  	[smem:$0x3FB0] =	sst s7  }
0x10: {  	[smem:$0x3FB1] =	sst s8  }
0x11: {  	[smem:$0x3FB2] =	sst s9;
	s0 =	simm.s32 @!p0 $0x0  }
0x12: {  	s1 =	sld [smem:$0x3F98];
	s0 =	simm.s32 @p0 $0x1  }
0x13: {  	[smem:$0x3FB3] =	sst s0;
	s0 =	simm.s32 @!p1 $0x0  }
0x14: {  	s2 =	sld [smem:$0x3F97];
	s0 =	simm.s32 @p1 $0x1  }
0x15: {  	[smem:$0x3FB4] =	sst s0;
	s0 =	simm.s32 @!p2 $0x0  }
0x16: {  	s3 =	sld [smem:$0x3FDB];
	s0 =	simm.s32 @p2 $0x1  }
0x17: {  	s4 =	simm.s32 $0x1BF5;
	[smem:$0x3FB6] =	sst s0  }
0x18: {  	s0 =	sld [smem:$0x3F99];
	_ =	swait.ge [sflag:s4], $0x0  }
0x19: {  	s7 =	sld [smem:$0x3F9A]  }
0x1a: {  	s8 =	sadd.s32 $0xFFFFE003, lr  }
0x1b: {  	s9 =	sadd.s32 $0xFFFFFEF7, lr;
	s5 =	simm.s32 $0xFFFFFFFF;
	p2 =	slt.u32 s8, $0xFFFFF086  }
0x1c: {  	p1 =	slt.u32 s9, $0xF7A;
	s5 =	simm.s32 @!p2 $0x0  }
0x1d: {  	s5 =	simm.s32 @p1 $0x1;
	p0 =	seq.s32 s7, s2  }
0x1e: {  	s7 =	smul.u32 @!p0 $0xF7A, s2;
	p2 =	seq.s32 @!p0 s5, $0x0  }
0x1f: {  	s9 =	smul.u32 $0xF7A, s1;
	s8 =	simm.s32 @!p0 $0x1BF5;
	p2 =	por !p2, p0  }
0x20: {  	[sflag:s8] =	ssyncset.s32 @!p0 $0xFFFFF086;
	s6 =	sadd.s32 @!p0 s3, s7;
	s7 =	simm.s32 @!p0 $0x108  }
0x21: {  	s3 =	sadd.s32 s3, s9;
	s6 =	sadd.s32 @!p0 $0x88, s6;
	s7 =	simm.s32 @p2 $0x1082  }
0x22: {  	[simem:s7], [sflag:s8] =	dma.local @!p0 [hbm:s6], $0xF7A  }
0x23: {  	s9 =	sor.u32 $0xD0000000, s2;
	s6 =	simm.s32 $0x108;
	_ =	swait.ge @!p0 [sflag:s8], $0x0  }
0x24: {  	s3 =	sadd.s32 $0x88, s3;
	s6 =	simm.s32 @!p1 $0x1082;
	[sflag:s4] =	ssyncset.s32 $0xFFFFF086  }
0x25: {  	[simem:s6], [sflag:s4] =	dma.local [hbm:s3], $0xF7A  }
0x26: {  	[smem:$0x3F9A] =	sst s1;
	(tag) =	ssettag s2;
	_ =	strace s9  }
0x27: {  	s1 =	sld [smem:$0x3FAA]  }
0x28: {  	s2 =	sld [smem:$0x3FAB]  }
0x29: {  	s4 =	sld [smem:$0x3FAD]  }
0x2a: {  	p0 =	seq.s32 s5, $0x0;
	s5 =	sld [smem:$0x3FAE]  }
0x2b: {  	s6 =	sld [smem:$0x3FAF]  }
0x2c: {  	s7 =	sld [smem:$0x3FB0]  }
0x2d: {  	s3 =	simm.s32 $0x108;
	s8 =	sld [smem:$0x3FB1]  }
0x2e: {  	s3 =	simm.s32 @!p0 $0x1082;
	s9 =	sld [smem:$0x3FB2]  }
0x2f: {  	lr =	sadd.s32 s0, s3;
	s0 =	sld [smem:$0x3FA9]  }
0x30: {  	s3 =	sld [smem:$0x3FAC]  }
0x31: {  	[smem:$0x3FB5] =	sst s10  }
0x32: {  	s10 =	sld [smem:$0x3FB3];
	_ =	sdelay $0x3  }
0x33: {  	p0 =	seq.s32 s10, $0x1;
	s10 =	sld [smem:$0x3FB5];
	_ =	sdelay $0x3  }
0x34: {  	[smem:$0x3FB5] =	sst s10  }
0x35: {  	s10 =	sld [smem:$0x3FB4];
	_ =	sdelay $0x3  }
0x36: {  	p1 =	seq.s32 s10, $0x1;
	s10 =	sld [smem:$0x3FB5];
	_ =	sdelay $0x3  }
0x37: {  	[smem:$0x3FB5] =	sst s10  }
0x38: {  	s10 =	sld [smem:$0x3FB6]  }
0x39: {  	_ = 	snop;
	(pc) =	sbr.ind lr, $3  }
0x3a: {  	_ = 	snop  }
0x3b: {  	_ = 	snop  }
0x3c: {  	p2 =	seq.s32 s10, $0x1;
	s10 =	sld [smem:$0x3FB5]  }
0x3d: {  	_ =	shalt  }
0x3e: {  	_ =	shalt  }
0x3f: {  	_ =	shalt  }
0x40: {  	_ =	shalt  }
0x41: {  	_ =	shalt  }
0x42: {  	_ =	shalt  }
0x43: {  	_ =	shalt  }
0x44: {  	_ =	shalt  }
0x45: {  	_ =	shalt  }
0x46: {  	_ =	shalt  }
0x47: {  	_ =	shalt  }
0x48: {  	_ =	shalt  }
0x49: {  	_ =	shalt  }
0x4a: {  	_ =	shalt  }
0x4b: {  	_ =	shalt  }
0x4c: {  	_ =	shalt  }
0x4d: {  	_ =	shalt  }
0x4e: {  	_ =	shalt  }
0x4f: {  	_ =	shalt  }
0x50: {  	_ =	shalt  }
0x51: {  	_ =	shalt  }
0x52: {  	_ =	shalt  }
0x53: {  	_ =	shalt  }
0x54: {  	_ =	shalt  }
0x55: {  	_ =	shalt  }
0x56: {  	_ =	shalt  }
0x57: {  	_ =	shalt  }
0x58: {  	_ =	shalt  }
0x59: {  	_ =	shalt  }
0x5a: {  	_ =	shalt  }
0x5b: {  	_ =	shalt  }
0x5c: {  	_ =	shalt  }
0x5d: {  	_ =	shalt  }
0x5e: {  	_ =	shalt  }
0x5f: {  	_ =	shalt  }
0x60: {  	_ =	shalt  }
0x61: {  	_ =	shalt  }
0x62: {  	_ =	shalt  }
0x63: {  	_ =	shalt  }
0x64: {  	_ =	shalt  }
0x65: {  	_ =	shalt  }
0x66: {  	_ =	shalt  }
0x67: {  	_ =	shalt  }
0x68: {  	_ =	shalt  }
0x69: {  	_ =	shalt  }
0x6a: {  	_ =	shalt  }
0x6b: {  	_ =	shalt  }
0x6c: {  	_ =	shalt  }
0x6d: {  	_ =	shalt  }
0x6e: {  	_ =	shalt  }
0x6f: {  	_ =	shalt  }
0x70: {  	_ =	shalt  }
0x71: {  	_ =	shalt  }
0x72: {  	_ =	shalt  }
0x73: {  	_ =	shalt  }
0x74: {  	_ =	shalt  }
0x75: {  	_ =	shalt  }
0x76: {  	_ =	shalt  }
0x77: {  	_ =	shalt  }
0x78: {  	_ =	shalt  }
0x79: {  	_ =	shalt  }
0x7a: {  	_ =	shalt  }
0x7b: {  	_ =	shalt  }
0x7c: {  	_ =	shalt  }
0x7d: {  	_ =	shalt  }
0x7e: {  	_ =	shalt  }
0x7f: {  	_ =	shalt  }
0x80: {  	_ =	shalt  }
0x81: {  	_ =	shalt  }
0x82: {  	_ =	shalt  }
0x83: {  	_ =	shalt  }
0x84: {  	_ =	shalt  }
0x85: {  	_ =	shalt  }
0x86: {  	_ =	shalt  }
0x87: {  	_ =	shalt  }
.Lfunc_end0:
.L_simem_size_0:
called_computation_lowered:
.L_overlay_start_0:
0x88: {  	s2 =	sld [smem:$0x3FD9]  }
0x89: {  	s3 =	sld [smem:$0x3FFE];
	_ =	sdelay $0x1  }
0x8a: {  	s1 =	srdreg.scid  }
0x8b: {  	s0 =	sand.u32 $0x1, s1  }
0x8c: {  	s17 =	sshll.u32 s0, $0xA;
	s2 =	sadd.s32 s3, s2  }
0x8d: {  	s2 =	sadd.s32 s2, s17  }
0x8e: {  	[smem:$0x3FC1] =	sst s2  }
0x8f: {  	_ = 	snop  }
0x90: {  	s2 =	sld [smem:$0x3FC9]  }
0x91: {  	s18 =	sld [smem:$0x3FC8]  }
0x92: {  	s4 =	sld [smem:$0x3FC7]  }
0x93: {  	s5 =	sld [smem:$0x3FD0];
	(tm) =	ssettm $0x1  }
0x94: {  	s6 =	sld [smem:$0x3FFB];
	_ =	sdelay $0x3  }
0x95: {  	_ =	strace s6  }
0x96: {  	s6 =	sld [smem:$0x3FFC];
	_ =	sdelay $0x3  }
0x97: {  	_ =	strace s6  }
0x98: {  	s6 =	sld [smem:$0x3FFD];
	_ =	sdelay $0x3  }
0x99: {  	_ =	strace s6  }
0x9a: {  	_ =	strace $0x8FFFFFFF  }
0x9b: {  	s19 =	sld [smem:$0x3FDB];
	_ =	sdelay $0x1  }
0x9c: {  	s7 =	simm.s32 $_scs_section_size  }
0x9d: {  	s8 =	simm.s32 $_size__tile_overlayer_lowered;
	s9 =	simm.s32 $_tile_overlayer_lowered  }
0x9e: {  	s22 =	simm.s32 $0x1BFF;
	s21 =	sshll.u32 s9, $0x1;
	s6 =	sadd.s32 s7, s19  }
0x9f: {  	s10 =	simm.s32 $0x0;
	s20 =	sshll.u32 s8, $0x1;
	s8 =	sadd.s32 s21, s6  }
0xa0: {  	[timem:s10], [sflag:s22] =	dma.local [hbm:s8], s20  }
0xa1: {  	_ =	swait.ge [sflag:s22], s20  }
0xa2: {  	s7 =	ssub.s32 $0x0, s20;
	[sflag:s22] =	ssyncset.done $0x0  }
0xa3: {  	[sflag:s22] =	ssyncadd.s32 s7;
	_ =	sdelay $0x1  }
0xa4: {  	s23 =	simm.s32 $0x1B8B  }
0xa5: {  	_ =	swait.ge [sflag:s23], $0x1  }
0xa6: {  	[sflag:s23] =	ssyncset.done $0x0  }
0xa7: {  	s25 =	simm.s32 $0x1B8E;
	s24 =	sld [smem:$0x3FFE];
	[sflag:s23] =	ssyncadd.s32 $0xFFFFFFFF  }
0xa8: {  	s26 =	simm.s32 $execute0_lowered;
	[smem:$0x3FD2] =	sst s25  }
0xa9: {  	s8 =	sshll.u32 s26, $0x1;
	_ =	strace $0x80000046;
	[dreg:$0x1] =	wrdreg $0xFFFFFFFF  }
0xaa: {  	s28 =	simm.s32 $_size_execute0_lowered;
	s6 =	sadd.s32 s6, s8;
	[dreg:$0x0] =	wrdreg $0x0  }
0xab: {  	s8 =	sshll.u32 s28, $0x1;
	[dreg:$0x2] =	wrdreg s6  }
0xac: {  	[dreg:$0x3] =	wrdreg s8  }
0xad: {  	[dreg:$0x4] =	wrdreg $0xC0  }
0xae: {  	_ =	task [dreg:s10], $0x5FFFF  }
0xaf: {  	[dreg:$0x1] =	wrdreg $0xFFFFFFFF  }
0xb0: {  	[dreg:$0x0] =	wrdreg $0x60  }
0xb1: {  	[dreg:$0x2] =	wrdreg s24  }
0xb2: {  	[dreg:$0x3] =	wrdreg s5  }
0xb3: {  	[dreg:$0x4] =	wrdreg s2  }
0xb4: {  	[dreg:$0x5] =	wrdreg s18  }
0xb5: {  	[dreg:$0x6] =	wrdreg s4  }
0xb6: {  	[dreg:$0x7] =	wrdreg $0x9  }
0xb7: {  	_ =	task.clear_ibuf [dreg:s10], $0x8FFFF;
	_ =	strace $0x90000046  }
0xb8: {  	s29 =	simm.s32 $0x9;
	_ =	strace $0x80000048  }
0xb9: {  	_ =	swait.ge [sflag:s29], $0x1  }
0xba: {  	[sflag:s29] =	ssyncadd.s32 $0xFFFFFFFF  }
0xbb: {  	_ =	strace $0x90000048  }
0xbc: {  	_ =	sfence  }
0xbd: {  	s30 =	sld [smem:$0x0];
	_ =	sdelay $0x2  }
0xbe: {  	s31 =	sshll.u32 s1, $0xD;
	s1 =	sshrl.u32 s1, $0x2  }
0xbf: {  	s3 =	sand.u32 $0x4000, s31;
	s1 =	sadd.s32 s1, s30  }
0xc0: {  	s0 =	sor.u32 s3, s0;
	s1 =	sshll.u32 s1, $0x11  }
0xc1: {  	s0 =	sor.u32 s1, s0  }
0xc2: {  	s0 =	sadd.s32 $0x8F2B, s0  }
0xc3: {  	[sflag:s0] =	ssyncadd.remote.s32 $0x1  }
0xc4: {  	_ =	sfence.sel $0xFFFF  }
0xc5: {  	[dreg:$0x0] =	wrdreg $0xFFFFFFFF;
	(pc) =	sbr.abs _section_cstart, $3  }
0xc6: {  	[dreg:$0x1] =	wrdreg $0xFFFFFFFF  }
0xc7: {  	_ =	task.clear_ibuf [dreg:s10], $0x2FFFF;
	_ =	strace $0x9FFFFFFF  }
0xc8: {  	(tm) =	ssettm $0x7FFFFFFF  }
0xc9: {  	_ =	shalt  }
tec
execute0_lowered:
.L_overlay_start_1:
0x0: {  	(tag) =	ssettag $0x1  }
0x1: {  	s0 =	rddreg [dreg:$0x0]  }
0x2: {  	s1 =	rddreg [dreg:$0x1]  }
0x3: {  	s4 =	rddreg [dreg:$0x2]  }
0x4: {  	s5 =	rddreg [dreg:$0x3]  }
0x5: {  	s6 =	rddreg [dreg:$0x4];
	s3 =	srdreg.scid  }
0x6: {  	s2 =	stileid.u32;
	s7 =	sand.u32 $0x1, s3;
	s3 =	simm.s32 $0x0  }
0x7: {  	s8 =	sshll.u32 s2, $0x7;
	s2 =	simm.s32 $0x600;
	[smem:$0x7FF] =	sst s3  }
0x8: {  	s10 =	simm.s32 $0x1000;
	_ =	strace $0x80000047;
	[dreg:$0x11] =	wrdreg s2  }
0x9: {  	s11 =	simm.s32 $0x680;
	s9 =	sshll.u32 s7, $0x6;
	[dreg:$0x16] =	wrdreg s10  }
0xa: {  	s12 =	simm.s32 $0x880;
	s8 =	sor.u32 s9, s8;
	[dreg:$0x17] =	wrdreg s11  }
0xb: {  	[dreg:$0x18] =	wrdreg s12;
	s4 =	sadd.s32 s4, s8  }
0xc: {  	s28 =	simm.s32 $0x1480;
	s14 =	sadd.s32 s5, s8;
	[dreg:$0x6] =	wrdreg s4  }
0xd: {  	s15 =	sadd.s32 $0x3E200, s0;
	s16 =	sadd.s32 s6, s8;
	[dreg:$0x7] =	wrdreg s14  }
0xe: {  	s17 =	sadd.s32 $0x3EA00, s0;
	s18 =	sadd.s32 s15, s8;
	[dreg:$0x8] =	wrdreg s16  }
0xf: {  	s29 =	simm.s32 $0x1300;
	s19 =	sadd.s32 s17, s8;
	[dreg:$0x9] =	wrdreg s18  }
0x10: {  	s30 =	simm.s32 $0x1500;
	s5 =	simm.s32 $0x800;
	[dreg:$0xa] =	wrdreg s19  }
0x11: {  	s9 =	sor.u32 $0x10, s8;
	s6 =	simm.s32 $0xA00;
	[dreg:$0x12] =	wrdreg s5  }
0x12: {  	s31 =	simm.s32 $0x1380;
	s20 =	sadd.s32 s15, s9;
	[dreg:$0x13] =	wrdreg s6  }
0x13: {  	s22 =	sor.u32 $0x20, s8;
	s21 =	sadd.s32 s17, s9;
	[dreg:$0xb] =	wrdreg s20  }
0x14: {  	s7 =	ssub.s32 $0x2, s7;
	s23 =	sadd.s32 s15, s22;
	[dreg:$0xc] =	wrdreg s21  }
0x15: {  	s8 =	sor.u32 $0x30, s8;
	s24 =	sadd.s32 s17, s22;
	[dreg:$0xd] =	wrdreg s23  }
0x16: {  	s13 =	sshrl.u32 s7, $0x1;
	s25 =	sadd.s32 s15, s8;
	[dreg:$0xe] =	wrdreg s24  }
0x17: {  	s10 =	simm.s32 $0x400;
	s26 =	sadd.s32 s17, s8;
	[dreg:$0xf] =	wrdreg s25  }
0x18: {  	s11 =	simm.s32 $0x80;
	s8 =	simm.s32 $0xC00;
	[dreg:$0x10] =	wrdreg s26  }
0x19: {  	s12 =	simm.s32 $0x480;
	s9 =	simm.s32 $0xE00;
	[dreg:$0x14] =	wrdreg s8  }
0x1a: {  	s7 =	ssub.s32 s7, s13;
	s14 =	simm.s32 $0xA80;
	[dreg:$0x15] =	wrdreg s9  }
0x1b: {  	s13 =	simm.s32 $0x280;
	s15 =	simm.s32 $0xC80;
	[dreg:$0x19] =	wrdreg s14  }
0x1c: {  	s4 =	sadd.s32 $0xC00, s0;
	s16 =	simm.s32 $0xE80;
	[dreg:$0x1a] =	wrdreg s15  }
0x1d: {  	s5 =	sadd.s32 $0x1F600, s0;
	s17 =	simm.s32 $0x1080;
	[dreg:$0x1b] =	wrdreg s16  }
0x1e: {  	s6 =	sadd.s32 $0x3E000, s0;
	s18 =	simm.s32 $0x700;
	[dreg:$0x1c] =	wrdreg s17  }
0x1f: {  	s7 =	smax.u32 s7, $0x1;
	s19 =	simm.s32 $0x900;
	[dreg:$0x1d] =	wrdreg s18  }
0x20: {  	s22 =	simm.s32 $0xF00;
	s0 =	simm.s32 $0x1580;
	[dreg:$0x1e] =	wrdreg s19  }
0x21: {  	s8 =	simm.s32 $0x2;
	s20 =	simm.s32 $0xB00;
	[smem:$0x7F9] =	sst s22  }
0x22: {  	s9 =	simm.s32 $0x200;
	s21 =	simm.s32 $0xD00;
	[dreg:$0x1f] =	wrdreg s20  }
0x23: {  	s14 =	simm.s32 $0x100;
	s23 =	simm.s32 $0x1100;
	[smem:$0x7F8] =	sst s21  }
0x24: {  	s15 =	simm.s32 $0x500;
	s24 =	simm.s32 $0x780;
	[smem:$0x7FA] =	sst s23  }
0x25: {  	s16 =	simm.s32 $0x300;
	s25 =	simm.s32 $0x980;
	[smem:$0x7FB] =	sst s24  }
0x26: {  	s17 =	simm.s32 $0x180;
	s26 =	simm.s32 $0xB80;
	[smem:$0x7FC] =	sst s25  }
0x27: {  	s18 =	simm.s32 $0x580;
	s22 =	simm.s32 $0x1180;
	[smem:$0x7FD] =	sst s26  }
0x28: {  	s20 =	simm.s32 $0x380;
	s21 =	simm.s32 $0xF80;
	s23 =	simm.s32 $0x1  }
0x29: {  	s24 =	simm.s32 $0x1200;
	s25 =	simm.s32 $0x1400;
	s26 =	simm.s32 $0x1280  }
.LBB2_1:
0x2a: {  	s2 =	rddreg [dreg:$0x6]  }
0x2b: {  	[tilespmem:s3], [sflag:$0x2] =	stream.linear.gather [hbm4b:s2+s3], $0x200, $0x38;
	[tilespmem:$0x1600] =	vst v63  }
0x2c: {  	_ =	swait.ge [sflag:s8], $0x200  }
0x2d: {  	[sflag:s8] =	ssyncset.done $0x0  }
0x2e: {  	s19 =	rddreg [dreg:$0x7];
	[sflag:s8] =	ssyncadd.s32 $0xFFFFFE00  }
0x2f: {  	[tilespmem:s9], [sflag:$0x2] =	stream.linear.gather [hbm4b:s19+s3], $0x200, $0x38;
	[tilespmem:$0x1600] =	vst v63  }
0x30: {  	_ =	swait.ge [sflag:s8], $0x200  }
0x31: {  	[sflag:s8] =	ssyncset.done $0x0  }
0x32: {  	s19 =	rddreg [dreg:$0x8];
	[sflag:s8] =	ssyncadd.s32 $0xFFFFFE00  }
0x33: {  	[tilespmem:s10], [sflag:$0x2] =	stream.linear.gather [hbm4b:s19+s3], $0x200, $0x38;
	[tilespmem:$0x1600] =	vst v63  }
0x34: {  	_ =	swait.ge [sflag:s8], $0x200  }
0x35: {  	s2 =	rddreg [dreg:$0x11];
	[sflag:s8] =	ssyncset.done $0x0  }
0x36: {  	s19 =	rddreg [dreg:$0x12];
	[sflag:s8] =	ssyncadd.s32 $0xFFFFFE00  }
0x37: {  	[tilespmem:s2], [sflag:$0x1] =	stream.indirect.gather [hbm4b:s4+s11], $0x1, s3, s11, $0xb8;
	[tilespmem:$0x1600] =	vst v63  }
0x38: {  	s2 =	rddreg [dreg:$0x13]  }
0x39: {  	[tilespmem:s19], [sflag:$0x1] =	stream.indirect.gather [hbm4b:s5+s11], $0x1, s3, s11, $0xb8;
	[tilespmem:$0x1600] =	vst v63  }
0x3a: {  	s19 =	rddreg [dreg:$0x14]  }
0x3b: {  	[tilespmem:s2], [sflag:$0x1] =	stream.indirect.gather [hbm4b:s4+s11], $0x1, s10, s11, $0xb8;
	[tilespmem:$0x1600] =	vst v63  }
0x3c: {  	s2 =	rddreg [dreg:$0x15]  }
0x3d: {  	[tilespmem:s19], [sflag:$0x1] =	stream.indirect.gather [hbm4b:s5+s11], $0x1, s10, s11, $0xb8;
	[tilespmem:$0x1600] =	vst v63  }
0x3e: {  	s19 =	rddreg [dreg:$0x16]  }
0x3f: {  	[tilespmem:s2], [sflag:$0x1] =	stream.indirect.gather [hbm4b:s1+s11], $0x1, s9, s11, $0xb8;
	[tilespmem:$0x1600] =	vst v63  }
0x40: {  	s2 =	rddreg [dreg:$0x17]  }
0x41: {  	[tilespmem:s19], [sflag:$0x1] =	stream.indirect.gather [hbm4b:s6+s11], $0x1, s9, s11, $0xb8;
	[tilespmem:$0x1600] =	vst v63  }
0x42: {  	s19 =	rddreg [dreg:$0x18]  }
0x43: {  	[tilespmem:s2], [sflag:$0x1] =	stream.indirect.gather [hbm4b:s4+s11], $0x1, s11, s11, $0xb8;
	[tilespmem:$0x1600] =	vst v63  }
0x44: {  	s2 =	rddreg [dreg:$0x19]  }
0x45: {  	[tilespmem:s19], [sflag:$0x1] =	stream.indirect.gather [hbm4b:s5+s11], $0x1, s11, s11, $0xb8;
	[tilespmem:$0x1600] =	vst v63  }
0x46: {  	s19 =	rddreg [dreg:$0x1a]  }
0x47: {  	[tilespmem:s2], [sflag:$0x1] =	stream.indirect.gather [hbm4b:s4+s11], $0x1, s12, s11, $0xb8;
	[tilespmem:$0x1600] =	vst v63  }
0x48: {  	s2 =	rddreg [dreg:$0x1b]  }
0x49: {  	[tilespmem:s19], [sflag:$0x1] =	stream.indirect.gather [hbm4b:s5+s11], $0x1, s12, s11, $0xb8;
	[tilespmem:$0x1600] =	vst v63  }
0x4a: {  	s19 =	rddreg [dreg:$0x1c]  }
0x4b: {  	[tilespmem:s2], [sflag:$0x1] =	stream.indirect.gather [hbm4b:s1+s11], $0x1, s13, s11, $0xb8;
	[tilespmem:$0x1600] =	vst v63  }
0x4c: {  	s2 =	rddreg [dreg:$0x1d]  }
0x4d: {  	[tilespmem:s19], [sflag:$0x1] =	stream.indirect.gather [hbm4b:s6+s11], $0x1, s13, s11, $0xb8;
	[tilespmem:$0x1600] =	vst v63  }
0x4e: {  	s19 =	rddreg [dreg:$0x1e]  }
0x4f: {  	[tilespmem:s2], [sflag:$0x1] =	stream.indirect.gather [hbm4b:s4+s11], $0x1, s14, s11, $0xb8;
	[tilespmem:$0x1600] =	vst v63  }
0x50: {  	s2 =	rddreg [dreg:$0x1f]  }
0x51: {  	[tilespmem:s19], [sflag:$0x1] =	stream.indirect.gather [hbm4b:s5+s11], $0x1, s14, s11, $0xb8;
	[tilespmem:$0x1600] =	vst v63  }
0x52: {  	s19 =	sld [smem:$0x7F8]  }
0x53: {  	[tilespmem:s2], [sflag:$0x1] =	stream.indirect.gather [hbm4b:s4+s11], $0x1, s15, s11, $0xb8;
	[tilespmem:$0x1600] =	vst v63  }
0x54: {  	s2 =	sld [smem:$0x7F9]  }
0x55: {  	[tilespmem:s19], [sflag:$0x1] =	stream.indirect.gather [hbm4b:s5+s11], $0x1, s15, s11, $0xb8;
	[tilespmem:$0x1600] =	vst v63  }
0x56: {  	s19 =	sld [smem:$0x7FA]  }
0x57: {  	[tilespmem:s2], [sflag:$0x1] =	stream.indirect.gather [hbm4b:s1+s11], $0x1, s16, s11, $0xb8;
	[tilespmem:$0x1600] =	vst v63  }
0x58: {  	s2 =	sld [smem:$0x7FB]  }
0x59: {  	[tilespmem:s19], [sflag:$0x1] =	stream.indirect.gather [hbm4b:s6+s11], $0x1, s16, s11, $0xb8;
	[tilespmem:$0x1600] =	vst v63  }
0x5a: {  	s19 =	sld [smem:$0x7FC]  }
0x5b: {  	[tilespmem:s2], [sflag:$0x1] =	stream.indirect.gather [hbm4b:s4+s11], $0x1, s17, s11, $0xb8;
	[tilespmem:$0x1600] =	vst v63  }
0x5c: {  	s2 =	sld [smem:$0x7FD]  }
0x5d: {  	[tilespmem:s19], [sflag:$0x1] =	stream.indirect.gather [hbm4b:s5+s11], $0x1, s17, s11, $0xb8;
	[tilespmem:$0x1600] =	vst v63  }
0x5e: {  	_ = 	snop  }
0x5f: {  	[tilespmem:s2], [sflag:$0x1] =	stream.indirect.gather [hbm4b:s4+s11], $0x1, s18, s11, $0xb8;
	[tilespmem:$0x1600] =	vst v63  }
0x60: {  	s19 =	simm.s32 $0xD80  }
0x61: {  	[tilespmem:s19], [sflag:$0x1] =	stream.indirect.gather [hbm4b:s5+s11], $0x1, s18, s11, $0xb8;
	[tilespmem:$0x1600] =	vst v63  }
0x62: {  	_ = 	snop  }
0x63: {  	[tilespmem:s21], [sflag:$0x1] =	stream.indirect.gather [hbm4b:s1+s11], $0x1, s20, s11, $0xb8;
	[tilespmem:$0x1600] =	vst v63  }
0x64: {  	_ = 	snop  }
0x65: {  	[tilespmem:s22], [sflag:$0x1] =	stream.indirect.gather [hbm4b:s6+s11], $0x1, s20, s11, $0xb8;
	[tilespmem:$0x1600] =	vst v63  }
0x66: {  	_ =	swait.ge [sflag:s23], $0x80  }
0x67: {  	[sflag:s23] =	ssyncset.done $0x0  }
0x68: {  	[sflag:s23] =	ssyncadd.s32 $0xFFFFFF80  }
0x69: {  	_ =	swait.ge [sflag:s23], $0x80  }
0x6a: {  	[sflag:s23] =	ssyncset.done $0x0  }
0x6b: {  	[sflag:s23] =	ssyncadd.s32 $0xFFFFFF80  }
0x6c: {  	_ =	swait.ge [sflag:s23], $0x80  }
0x6d: {  	[sflag:s23] =	ssyncset.done $0x0  }
0x6e: {  	[sflag:s23] =	ssyncadd.s32 $0xFFFFFF80  }
0x6f: {  	_ =	swait.ge [sflag:s23], $0x80  }
0x70: {  	[sflag:s23] =	ssyncset.done $0x0  }
0x71: {  	[sflag:s23] =	ssyncadd.s32 $0xFFFFFF80  }
0x72: {  	_ =	swait.ge [sflag:s23], $0x80  }
0x73: {  	[sflag:s23] =	ssyncset.done $0x0  }
0x74: {  	[sflag:s23] =	ssyncadd.s32 $0xFFFFFF80  }
0x75: {  	_ =	swait.ge [sflag:s23], $0x80  }
0x76: {  	[sflag:s23] =	ssyncset.done $0x0  }
0x77: {  	[sflag:s23] =	ssyncadd.s32 $0xFFFFFF80  }
0x78: {  	v0 =	vld [tilespmem:$0x600]  }
0x79: {  	v1 =	vld [tilespmem:$0xE00];
	_ =	sdelay $0x1  }
0x7a: {  	v2 =	vld [tilespmem:$0xA00];
	_ =	sdelay $0x2  }
0x7b: {  	v0 =	vadd.f32 v1, v0;
	_ =	sdelay $0x1  }
0x7c: {  	v0 =	vsub.f32 v2, v0;
	_ =	sdelay $0x1  }
0x7d: {  	v0 =	vadd.f32 $0.0e+00, v0;
	_ =	sdelay $0x1  }
0x7e: {  	v0 =	vmul.f32 $1.442695020e+00, v0  }
0x7f: {  	v32 =	vld [tilespmem:$0x800]  }
0x80: {  	v33 =	vld [tilespmem:$0x1000];
	(erf) = vpow2.f32 v0;
	_ =	sdelay $0x1  }
0x81: {  	v34 =	vld [tilespmem:$0xC00];
	_ =	sdelay $0x2  }
0x82: {  	v1 =	vadd.f32 v33, v32;
	_ =	sdelay $0x1  }
0x83: {  	v0 =	vsub.f32 v34, v1;
	_ =	sdelay $0x1  }
0x84: {  	v0 =	vadd.f32 $0.0e+00, v0;
	v35 =	vpop (erf)  }
0x85: {  	v1 =	vadd.f32 $1.000000000e+00, v35  }
0x86: {  	v0 =	vmul.f32 $1.442695020e+00, v0  }
0x87: {  	v36 =	vld [tilespmem:$0x610];
	(erf) = vrcp.f32 v1  }
0x88: {  	v37 =	vld [tilespmem:$0xE10];
	(erf) = vpow2.f32 v0;
	_ =	sdelay $0x1  }
0x89: {  	v38 =	vld [tilespmem:$0xA10];
	_ =	sdelay $0x2  }
0x8a: {  	v0 =	vadd.f32 v37, v36;
	_ =	sdelay $0x1  }
0x8b: {  	v0 =	vsub.f32 v38, v0  }
0x8c: {  	v39 =	vpop (erf)  }
0x8d: {  	v0 =	vadd.f32 $0.0e+00, v0;
	v40 =	vpop (erf)  }
0x8e: {  	v2 =	vadd.f32 $1.000000000e+00, v40  }
0x8f: {  	v0 =	vmul.f32 $1.442695020e+00, v0  }
0x90: {  	v41 =	vld [tilespmem:$0x810];
	(erf) = vrcp.f32 v2  }
0x91: {  	v3 =	vld [tilespmem:$0x1010];
	(erf) = vpow2.f32 v0;
	_ =	sdelay $0x1  }
0x92: {  	v42 =	vld [tilespmem:$0xC10];
	_ =	sdelay $0x2  }
0x93: {  	v2 =	vadd.f32 v3, v41;
	_ =	sdelay $0x1  }
0x94: {  	v0 =	vsub.f32 v42, v2  }
0x95: {  	v43 =	vpop (erf)  }
0x96: {  	v0 =	vadd.f32 $0.0e+00, v0;
	v44 =	vpop (erf)  }
0x97: {  	v3 =	vadd.f32 $1.000000000e+00, v44  }
0x98: {  	v0 =	vmul.f32 $1.442695020e+00, v0  }
0x99: {  	v45 =	vld [tilespmem:$0x620];
	(erf) = vrcp.f32 v3  }
0x9a: {  	v46 =	vld [tilespmem:$0xE20];
	(erf) = vpow2.f32 v0;
	_ =	sdelay $0x1  }
0x9b: {  	v4 =	vld [tilespmem:$0xA20];
	_ =	sdelay $0x2  }
0x9c: {  	v0 =	vadd.f32 v46, v45;
	_ =	sdelay $0x1  }
0x9d: {  	v0 =	vsub.f32 v4, v0  }
0x9e: {  	v47 =	vpop (erf)  }
0x9f: {  	v0 =	vadd.f32 $0.0e+00, v0;
	v48 =	vpop (erf)  }
0xa0: {  	v4 =	vadd.f32 $1.000000000e+00, v48  }
0xa1: {  	v0 =	vmul.f32 $1.442695020e+00, v0  }
0xa2: {  	v49 =	vld [tilespmem:$0x820];
	(erf) = vrcp.f32 v4  }
0xa3: {  	v5 =	vld [tilespmem:$0x1020];
	(erf) = vpow2.f32 v0;
	_ =	sdelay $0x1  }
0xa4: {  	v50 =	vld [tilespmem:$0xC20];
	_ =	sdelay $0x2  }
0xa5: {  	v4 =	vadd.f32 v5, v49;
	_ =	sdelay $0x1  }
0xa6: {  	v0 =	vsub.f32 v50, v4  }
0xa7: {  	v51 =	vpop (erf)  }
0xa8: {  	v0 =	vadd.f32 $0.0e+00, v0;
	v52 =	vpop (erf)  }
0xa9: {  	v5 =	vadd.f32 $1.000000000e+00, v52  }
0xaa: {  	v0 =	vmul.f32 $1.442695020e+00, v0  }
0xab: {  	v53 =	vld [tilespmem:$0x630];
	(erf) = vrcp.f32 v5  }
0xac: {  	v54 =	vld [tilespmem:$0xE30];
	(erf) = vpow2.f32 v0;
	_ =	sdelay $0x1  }
0xad: {  	v6 =	vld [tilespmem:$0xA30];
	_ =	sdelay $0x2  }
0xae: {  	v0 =	vadd.f32 v54, v53;
	_ =	sdelay $0x1  }
0xaf: {  	v0 =	vsub.f32 v6, v0  }
0xb0: {  	v55 =	vpop (erf)  }
0xb1: {  	v0 =	vadd.f32 $0.0e+00, v0;
	v56 =	vpop (erf)  }
0xb2: {  	v6 =	vadd.f32 $1.000000000e+00, v56  }
0xb3: {  	v0 =	vmul.f32 $1.442695020e+00, v0  }
0xb4: {  	v57 =	vld [tilespmem:$0x830];
	(erf) = vrcp.f32 v6  }
0xb5: {  	v7 =	vld [tilespmem:$0x1030];
	(erf) = vpow2.f32 v0;
	_ =	sdelay $0x1  }
0xb6: {  	v58 =	vld [tilespmem:$0xC30];
	_ =	sdelay $0x2  }
0xb7: {  	v6 =	vadd.f32 v7, v57;
	_ =	sdelay $0x1  }
0xb8: {  	v0 =	vsub.f32 v58, v6  }
0xb9: {  	v59 =	vpop (erf)  }
0xba: {  	v0 =	vadd.f32 $0.0e+00, v0;
	v60 =	vpop (erf)  }
0xbb: {  	v7 =	vadd.f32 $1.000000000e+00, v60  }
0xbc: {  	v0 =	vmul.f32 $1.442695020e+00, v0  }
0xbd: {  	v61 =	vld [tilespmem:$0x640];
	(erf) = vrcp.f32 v7  }
0xbe: {  	v62 =	vld [tilespmem:$0xE40];
	(erf) = vpow2.f32 v0;
	_ =	sdelay $0x1  }
0xbf: {  	v8 =	vld [tilespmem:$0xA40];
	_ =	sdelay $0x2  }
0xc0: {  	v0 =	vadd.f32 v62, v61;
	_ =	sdelay $0x1  }
0xc1: {  	v0 =	vsub.f32 v8, v0  }
0xc2: {  	v63 =	vpop (erf)  }
0xc3: {  	v0 =	vadd.f32 $0.0e+00, v0;
	v12 =	vpop (erf)  }
0xc4: {  	v8 =	vadd.f32 $1.000000000e+00, v12  }
0xc5: {  	v0 =	vmul.f32 $1.442695020e+00, v0  }
0xc6: {  	v13 =	vld [tilespmem:$0x840];
	(erf) = vrcp.f32 v8  }
0xc7: {  	v9 =	vld [tilespmem:$0x1040];
	(erf) = vpow2.f32 v0;
	_ =	sdelay $0x1  }
0xc8: {  	v14 =	vld [tilespmem:$0xC40];
	_ =	sdelay $0x2  }
0xc9: {  	v8 =	vadd.f32 v9, v13;
	_ =	sdelay $0x1  }
0xca: {  	v0 =	vsub.f32 v14, v8  }
0xcb: {  	v15 =	vpop (erf)  }
0xcc: {  	v0 =	vadd.f32 $0.0e+00, v0;
	v16 =	vpop (erf)  }
0xcd: {  	v9 =	vadd.f32 $1.000000000e+00, v16  }
0xce: {  	v0 =	vmul.f32 $1.442695020e+00, v0  }
0xcf: {  	(erf) = vrcp.f32 v9  }
0xd0: {  	(erf) = vpow2.f32 v0;
	_ =	sdelay $0x7  }
0xd1: {  	v17 =	vpop (erf)  }
0xd2: {  	v18 =	vpop (erf)  }
0xd3: {  	v9 =	vadd.f32 $1.000000000e+00, v18;
	_ =	sdelay $0x1  }
0xd4: {  	(erf) = vrcp.f32 v9  }
0xd5: {  	[tilespmem:$0x1200] =	vst v39  }
0xd6: {  	[tilespmem:$0x1400] =	vst v43  }
0xd7: {  	[tilespmem:$0x1210] =	vst v47  }
0xd8: {  	[tilespmem:$0x1410] =	vst v51  }
0xd9: {  	[tilespmem:$0x1220] =	vst v55  }
0xda: {  	[tilespmem:$0x1420] =	vst v59  }
0xdb: {  	[tilespmem:$0x1230] =	vst v63  }
0xdc: {  	[tilespmem:$0x1430] =	vst v15  }
0xdd: {  	[tilespmem:$0x1240] =	vst v17;
	v19 =	vpop (erf)  }
0xde: {  	[tilespmem:$0x1440] =	vst v19  }
0xdf: {  	v0 =	vld [tilespmem:$0x650]  }
0xe0: {  	v20 =	vld [tilespmem:$0xE50];
	_ =	sdelay $0x1  }
0xe1: {  	v21 =	vld [tilespmem:$0xA50];
	_ =	sdelay $0x2  }
0xe2: {  	v0 =	vadd.f32 v20, v0;
	_ =	sdelay $0x1  }
0xe3: {  	v0 =	vsub.f32 v21, v0;
	_ =	sdelay $0x1  }
0xe4: {  	v0 =	vadd.f32 $0.0e+00, v0;
	_ =	sdelay $0x1  }
0xe5: {  	v0 =	vmul.f32 $1.442695020e+00, v0  }
0xe6: {  	v22 =	vld [tilespmem:$0x850]  }
0xe7: {  	v23 =	vld [tilespmem:$0x1050];
	(erf) = vpow2.f32 v0;
	_ =	sdelay $0x1  }
0xe8: {  	v24 =	vld [tilespmem:$0xC50];
	_ =	sdelay $0x2  }
0xe9: {  	v1 =	vadd.f32 v23, v22;
	_ =	sdelay $0x1  }
0xea: {  	v0 =	vsub.f32 v24, v1;
	_ =	sdelay $0x1  }
0xeb: {  	v0 =	vadd.f32 $0.0e+00, v0;
	v25 =	vpop (erf)  }
0xec: {  	v1 =	vadd.f32 $1.000000000e+00, v25  }
0xed: {  	v0 =	vmul.f32 $1.442695020e+00, v0  }
0xee: {  	v26 =	vld [tilespmem:$0x660];
	(erf) = vrcp.f32 v1  }
0xef: {  	v27 =	vld [tilespmem:$0xE60];
	(erf) = vpow2.f32 v0;
	_ =	sdelay $0x1  }
0xf0: {  	v28 =	vld [tilespmem:$0xA60];
	_ =	sdelay $0x2  }
0xf1: {  	v0 =	vadd.f32 v27, v26;
	_ =	sdelay $0x1  }
0xf2: {  	v0 =	vsub.f32 v28, v0  }
0xf3: {  	v29 =	vpop (erf)  }
0xf4: {  	v0 =	vadd.f32 $0.0e+00, v0;
	v30 =	vpop (erf)  }
0xf5: {  	v2 =	vadd.f32 $1.000000000e+00, v30  }
0xf6: {  	v0 =	vmul.f32 $1.442695020e+00, v0  }
0xf7: {  	v31 =	vld [tilespmem:$0x860];
	(erf) = vrcp.f32 v2  }
0xf8: {  	v32 =	vld [tilespmem:$0x1060];
	(erf) = vpow2.f32 v0;
	_ =	sdelay $0x1  }
0xf9: {  	v33 =	vld [tilespmem:$0xC60];
	_ =	sdelay $0x2  }
0xfa: {  	v2 =	vadd.f32 v32, v31;
	_ =	sdelay $0x1  }
0xfb: {  	v0 =	vsub.f32 v33, v2  }
0xfc: {  	v34 =	vpop (erf)  }
0xfd: {  	v0 =	vadd.f32 $0.0e+00, v0;
	v35 =	vpop (erf)  }
0xfe: {  	v3 =	vadd.f32 $1.000000000e+00, v35  }
0xff: {  	v0 =	vmul.f32 $1.442695020e+00, v0  }
0x100: {  	v36 =	vld [tilespmem:$0x670];
	(erf) = vrcp.f32 v3  }
0x101: {  	v37 =	vld [tilespmem:$0xE70];
	(erf) = vpow2.f32 v0;
	_ =	sdelay $0x1  }
0x102: {  	v38 =	vld [tilespmem:$0xA70];
	_ =	sdelay $0x2  }
0x103: {  	v0 =	vadd.f32 v37, v36;
	_ =	sdelay $0x1  }
0x104: {  	v0 =	vsub.f32 v38, v0  }
0x105: {  	v39 =	vpop (erf)  }
0x106: {  	v0 =	vadd.f32 $0.0e+00, v0;
	v40 =	vpop (erf)  }
0x107: {  	v4 =	vadd.f32 $1.000000000e+00, v40  }
0x108: {  	v0 =	vmul.f32 $1.442695020e+00, v0  }
0x109: {  	v41 =	vld [tilespmem:$0x870];
	(erf) = vrcp.f32 v4  }
0x10a: {  	v42 =	vld [tilespmem:$0x1070];
	(erf) = vpow2.f32 v0;
	_ =	sdelay $0x1  }
0x10b: {  	v43 =	vld [tilespmem:$0xC70];
	_ =	sdelay $0x2  }
0x10c: {  	v4 =	vadd.f32 v42, v41;
	_ =	sdelay $0x1  }
0x10d: {  	v0 =	vsub.f32 v43, v4  }
0x10e: {  	v44 =	vpop (erf)  }
0x10f: {  	v0 =	vadd.f32 $0.0e+00, v0;
	v45 =	vpop (erf)  }
0x110: {  	v5 =	vadd.f32 $1.000000000e+00, v45  }
0x111: {  	v0 =	vmul.f32 $1.442695020e+00, v0  }
0x112: {  	(erf) = vrcp.f32 v5  }
0x113: {  	(erf) = vpow2.f32 v0;
	_ =	sdelay $0x7  }
0x114: {  	v46 =	vpop (erf)  }
0x115: {  	v47 =	vpop (erf)  }
0x116: {  	v5 =	vadd.f32 $1.000000000e+00, v47;
	_ =	sdelay $0x1  }
0x117: {  	(erf) = vrcp.f32 v5;
	_ =	sdelay $0x4  }
0x118: {  	[tilespmem:$0x1250] =	vst v29  }
0x119: {  	[tilespmem:$0x1450] =	vst v34  }
0x11a: {  	[tilespmem:$0x1260] =	vst v39  }
0x11b: {  	[tilespmem:$0x1460] =	vst v44  }
0x11c: {  	[tilespmem:$0x1270] =	vst v46;
	v48 =	vpop (erf)  }
0x11d: {  	s19 =	rddreg [dreg:$0x9];
	[tilespmem:$0x1470] =	vst v48  }
0x11e: {  	[hbm4b:s19+s3] =	stream.linear.scatter [tilespmem:s24], [sflag:$0x2], $0x80, $0x38;
	[tilespmem:$0x1600] =	vst v63  }
0x11f: {  	_ =	swait.ge [sflag:s8], $0x80  }
0x120: {  	[sflag:s8] =	ssyncset.done $0x0  }
0x121: {  	s19 =	rddreg [dreg:$0xa];
	[sflag:s8] =	ssyncadd.s32 $0xFFFFFF80  }
0x122: {  	[hbm4b:s19+s3] =	stream.linear.scatter [tilespmem:s25], [sflag:$0x2], $0x80, $0x38;
	[tilespmem:$0x1600] =	vst v63  }
0x123: {  	_ =	swait.ge [sflag:s8], $0x80  }
0x124: {  	[sflag:s8] =	ssyncset.done $0x0  }
0x125: {  	[sflag:s8] =	ssyncadd.s32 $0xFFFFFF80  }
0x126: {  	_ =	swait.ge [sflag:s23], $0x80  }
0x127: {  	[sflag:s23] =	ssyncset.done $0x0  }
0x128: {  	[sflag:s23] =	ssyncadd.s32 $0xFFFFFF80  }
0x129: {  	_ =	swait.ge [sflag:s23], $0x80  }
0x12a: {  	[sflag:s23] =	ssyncset.done $0x0  }
0x12b: {  	[sflag:s23] =	ssyncadd.s32 $0xFFFFFF80  }
0x12c: {  	_ =	swait.ge [sflag:s23], $0x80  }
0x12d: {  	[sflag:s23] =	ssyncset.done $0x0  }
0x12e: {  	[sflag:s23] =	ssyncadd.s32 $0xFFFFFF80  }
0x12f: {  	_ =	swait.ge [sflag:s23], $0x80  }
0x130: {  	[sflag:s23] =	ssyncset.done $0x0  }
0x131: {  	[sflag:s23] =	ssyncadd.s32 $0xFFFFFF80  }
0x132: {  	_ =	swait.ge [sflag:s23], $0x80  }
0x133: {  	[sflag:s23] =	ssyncset.done $0x0  }
0x134: {  	[sflag:s23] =	ssyncadd.s32 $0xFFFFFF80  }
0x135: {  	_ =	swait.ge [sflag:s23], $0x80  }
0x136: {  	[sflag:s23] =	ssyncset.done $0x0  }
0x137: {  	[sflag:s23] =	ssyncadd.s32 $0xFFFFFF80  }
0x138: {  	v49 =	vld [tilespmem:$0x680]  }
0x139: {  	v50 =	vld [tilespmem:$0xE80];
	_ =	sdelay $0x1  }
0x13a: {  	v51 =	vld [tilespmem:$0xA80];
	_ =	sdelay $0x2  }
0x13b: {  	v0 =	vadd.f32 v50, v49;
	_ =	sdelay $0x1  }
0x13c: {  	v0 =	vsub.f32 v51, v0;
	_ =	sdelay $0x1  }
0x13d: {  	v0 =	vadd.f32 $0.0e+00, v0;
	_ =	sdelay $0x1  }
0x13e: {  	v0 =	vmul.f32 $1.442695020e+00, v0  }
0x13f: {  	v52 =	vld [tilespmem:$0x880]  }
0x140: {  	v53 =	vld [tilespmem:$0x1080];
	(erf) = vpow2.f32 v0;
	_ =	sdelay $0x1  }
0x141: {  	v54 =	vld [tilespmem:$0xC80];
	_ =	sdelay $0x2  }
0x142: {  	v1 =	vadd.f32 v53, v52;
	_ =	sdelay $0x1  }
0x143: {  	v0 =	vsub.f32 v54, v1;
	_ =	sdelay $0x1  }
0x144: {  	v0 =	vadd.f32 $0.0e+00, v0;
	v55 =	vpop (erf)  }
0x145: {  	v1 =	vadd.f32 $1.000000000e+00, v55  }
0x146: {  	v56 =	vld [tilespmem:$0x690];
	v0 =	vmul.f32 $1.442695020e+00, v0  }
0x147: {  	v57 =	vld [tilespmem:$0xE90];
	(erf) = vrcp.f32 v1  }
0x148: {  	(erf) = vpow2.f32 v0;
	_ =	sdelay $0x1  }
0x149: {  	v58 =	vld [tilespmem:$0xA90];
	_ =	sdelay $0x1  }
0x14a: {  	v0 =	vadd.f32 v57, v56;
	_ =	sdelay $0x2  }
0x14b: {  	v1 =	vsub.f32 v58, v0  }
0x14c: {  	v0 =	vpop (erf)  }
0x14d: {  	v1 =	vadd.f32 $0.0e+00, v1;
	v59 =	vpop (erf)  }
0x14e: {  	v2 =	vadd.f32 $1.000000000e+00, v59  }
0x14f: {  	v1 =	vmul.f32 $1.442695020e+00, v1  }
0x150: {  	v60 =	vld [tilespmem:$0x890];
	(erf) = vrcp.f32 v2  }
0x151: {  	v61 =	vld [tilespmem:$0x1090];
	(erf) = vpow2.f32 v1;
	_ =	sdelay $0x1  }
0x152: {  	v62 =	vld [tilespmem:$0xC90];
	_ =	sdelay $0x2  }
0x153: {  	v2 =	vadd.f32 v61, v60;
	_ =	sdelay $0x1  }
0x154: {  	v2 =	vsub.f32 v62, v2  }
0x155: {  	v63 =	vpop (erf)  }
0x156: {  	v2 =	vadd.f32 $0.0e+00, v2;
	v10 =	vpop (erf)  }
0x157: {  	v3 =	vadd.f32 $1.000000000e+00, v10  }
0x158: {  	v11 =	vld [tilespmem:$0x6A0];
	v2 =	vmul.f32 $1.442695020e+00, v2  }
0x159: {  	v12 =	vld [tilespmem:$0xEA0];
	(erf) = vrcp.f32 v3  }
0x15a: {  	(erf) = vpow2.f32 v2;
	_ =	sdelay $0x1  }
0x15b: {  	v13 =	vld [tilespmem:$0xAA0];
	_ =	sdelay $0x1  }
0x15c: {  	v2 =	vadd.f32 v12, v11;
	_ =	sdelay $0x2  }
0x15d: {  	v3 =	vsub.f32 v13, v2  }
0x15e: {  	v2 =	vpop (erf)  }
0x15f: {  	v3 =	vadd.f32 $0.0e+00, v3;
	v14 =	vpop (erf)  }
0x160: {  	v4 =	vadd.f32 $1.000000000e+00, v14  }
0x161: {  	v3 =	vmul.f32 $1.442695020e+00, v3  }
0x162: {  	v15 =	vld [tilespmem:$0x8A0];
	(erf) = vrcp.f32 v4  }
0x163: {  	v16 =	vld [tilespmem:$0x10A0];
	(erf) = vpow2.f32 v3;
	_ =	sdelay $0x1  }
0x164: {  	v17 =	vld [tilespmem:$0xCA0];
	_ =	sdelay $0x2  }
0x165: {  	v4 =	vadd.f32 v16, v15;
	_ =	sdelay $0x1  }
0x166: {  	v4 =	vsub.f32 v17, v4  }
0x167: {  	v3 =	vpop (erf)  }
0x168: {  	v4 =	vadd.f32 $0.0e+00, v4;
	v18 =	vpop (erf)  }
0x169: {  	v5 =	vadd.f32 $1.000000000e+00, v18  }
0x16a: {  	v4 =	vmul.f32 $1.442695020e+00, v4  }
0x16b: {  	v19 =	vld [tilespmem:$0x6B0];
	(erf) = vrcp.f32 v5  }
0x16c: {  	v20 =	vld [tilespmem:$0xEB0];
	(erf) = vpow2.f32 v4;
	_ =	sdelay $0x1  }
0x16d: {  	v21 =	vld [tilespmem:$0xAB0];
	_ =	sdelay $0x2  }
0x16e: {  	v4 =	vadd.f32 v20, v19;
	_ =	sdelay $0x1  }
0x16f: {  	v4 =	vsub.f32 v21, v4  }
0x170: {  	v22 =	vpop (erf)  }
0x171: {  	v4 =	vadd.f32 $0.0e+00, v4;
	v23 =	vpop (erf)  }
0x172: {  	v6 =	vadd.f32 $1.000000000e+00, v23  }
0x173: {  	v4 =	vmul.f32 $1.442695020e+00, v4  }
0x174: {  	v24 =	vld [tilespmem:$0x8B0];
	(erf) = vrcp.f32 v6  }
0x175: {  	v25 =	vld [tilespmem:$0x10B0];
	(erf) = vpow2.f32 v4;
	_ =	sdelay $0x1  }
0x176: {  	v26 =	vld [tilespmem:$0xCB0];
	_ =	sdelay $0x2  }
0x177: {  	v6 =	vadd.f32 v25, v24;
	_ =	sdelay $0x1  }
0x178: {  	v4 =	vsub.f32 v26, v6  }
0x179: {  	v27 =	vpop (erf)  }
0x17a: {  	v4 =	vadd.f32 $0.0e+00, v4;
	v28 =	vpop (erf)  }
0x17b: {  	v7 =	vadd.f32 $1.000000000e+00, v28  }
0x17c: {  	v4 =	vmul.f32 $1.442695020e+00, v4  }
0x17d: {  	v29 =	vld [tilespmem:$0x6C0];
	(erf) = vrcp.f32 v7  }
0x17e: {  	v30 =	vld [tilespmem:$0xEC0];
	(erf) = vpow2.f32 v4;
	_ =	sdelay $0x1  }
0x17f: {  	v31 =	vld [tilespmem:$0xAC0];
	_ =	sdelay $0x2  }
0x180: {  	v4 =	vadd.f32 v30, v29;
	_ =	sdelay $0x1  }
0x181: {  	v4 =	vsub.f32 v31, v4  }
0x182: {  	v32 =	vpop (erf)  }
0x183: {  	v4 =	vadd.f32 $0.0e+00, v4;
	v33 =	vpop (erf)  }
0x184: {  	v8 =	vadd.f32 $1.000000000e+00, v33  }
0x185: {  	v4 =	vmul.f32 $1.442695020e+00, v4  }
0x186: {  	v34 =	vld [tilespmem:$0x8C0];
	(erf) = vrcp.f32 v8  }
0x187: {  	v35 =	vld [tilespmem:$0x10C0];
	(erf) = vpow2.f32 v4;
	_ =	sdelay $0x1  }
0x188: {  	v36 =	vld [tilespmem:$0xCC0];
	_ =	sdelay $0x2  }
0x189: {  	v8 =	vadd.f32 v35, v34;
	_ =	sdelay $0x1  }
0x18a: {  	v4 =	vsub.f32 v36, v8  }
0x18b: {  	v37 =	vpop (erf)  }
0x18c: {  	v4 =	vadd.f32 $0.0e+00, v4;
	v38 =	vpop (erf)  }
0x18d: {  	v9 =	vadd.f32 $1.000000000e+00, v38  }
0x18e: {  	v4 =	vmul.f32 $1.442695020e+00, v4  }
0x18f: {  	v39 =	vld [tilespmem:$0x6D0];
	(erf) = vrcp.f32 v9  }
0x190: {  	v40 =	vld [tilespmem:$0xED0];
	(erf) = vpow2.f32 v4;
	_ =	sdelay $0x1  }
0x191: {  	v10 =	vld [tilespmem:$0xAD0];
	_ =	sdelay $0x2  }
0x192: {  	v4 =	vadd.f32 v40, v39;
	_ =	sdelay $0x1  }
0x193: {  	v4 =	vsub.f32 v10, v4  }
0x194: {  	v41 =	vpop (erf)  }
0x195: {  	v4 =	vadd.f32 $0.0e+00, v4;
	v42 =	vpop (erf)  }
0x196: {  	v10 =	vadd.f32 $1.000000000e+00, v42  }
0x197: {  	v4 =	vmul.f32 $1.442695020e+00, v4  }
0x198: {  	v43 =	vld [tilespmem:$0x8D0];
	(erf) = vrcp.f32 v10  }
0x199: {  	v11 =	vld [tilespmem:$0x10D0];
	(erf) = vpow2.f32 v4;
	_ =	sdelay $0x1  }
0x19a: {  	v44 =	vld [tilespmem:$0xCD0];
	_ =	sdelay $0x2  }
0x19b: {  	v10 =	vadd.f32 v11, v43;
	_ =	sdelay $0x1  }
0x19c: {  	v4 =	vsub.f32 v44, v10  }
0x19d: {  	v45 =	vpop (erf)  }
0x19e: {  	v4 =	vadd.f32 $0.0e+00, v4;
	v46 =	vpop (erf)  }
0x19f: {  	v11 =	vadd.f32 $1.000000000e+00, v46  }
0x1a0: {  	v4 =	vmul.f32 $1.442695020e+00, v4  }
0x1a1: {  	v47 =	vld [tilespmem:$0x6E0];
	(erf) = vrcp.f32 v11  }
0x1a2: {  	v48 =	vld [tilespmem:$0xEE0];
	(erf) = vpow2.f32 v4;
	_ =	sdelay $0x1  }
0x1a3: {  	v12 =	vld [tilespmem:$0xAE0];
	_ =	sdelay $0x2  }
0x1a4: {  	v4 =	vadd.f32 v48, v47;
	_ =	sdelay $0x1  }
0x1a5: {  	v4 =	vsub.f32 v12, v4  }
0x1a6: {  	v49 =	vpop (erf)  }
0x1a7: {  	v4 =	vadd.f32 $0.0e+00, v4;
	v50 =	vpop (erf)  }
0x1a8: {  	v12 =	vadd.f32 $1.000000000e+00, v50  }
0x1a9: {  	v4 =	vmul.f32 $1.442695020e+00, v4  }
0x1aa: {  	v51 =	vld [tilespmem:$0x8E0];
	(erf) = vrcp.f32 v12  }
0x1ab: {  	v13 =	vld [tilespmem:$0x10E0];
	(erf) = vpow2.f32 v4;
	_ =	sdelay $0x1  }
0x1ac: {  	v52 =	vld [tilespmem:$0xCE0];
	_ =	sdelay $0x2  }
0x1ad: {  	v12 =	vadd.f32 v13, v51;
	_ =	sdelay $0x1  }
0x1ae: {  	v4 =	vsub.f32 v52, v12  }
0x1af: {  	v53 =	vpop (erf)  }
0x1b0: {  	v4 =	vadd.f32 $0.0e+00, v4;
	v54 =	vpop (erf)  }
0x1b1: {  	v13 =	vadd.f32 $1.000000000e+00, v54  }
0x1b2: {  	v4 =	vmul.f32 $1.442695020e+00, v4  }
0x1b3: {  	v55 =	vld [tilespmem:$0x6F0];
	(erf) = vrcp.f32 v13  }
0x1b4: {  	v56 =	vld [tilespmem:$0xEF0];
	(erf) = vpow2.f32 v4;
	_ =	sdelay $0x1  }
0x1b5: {  	v14 =	vld [tilespmem:$0xAF0];
	_ =	sdelay $0x2  }
0x1b6: {  	v4 =	vadd.f32 v56, v55;
	_ =	sdelay $0x1  }
0x1b7: {  	v4 =	vsub.f32 v14, v4  }
0x1b8: {  	v57 =	vpop (erf)  }
0x1b9: {  	v4 =	vadd.f32 $0.0e+00, v4;
	v58 =	vpop (erf)  }
0x1ba: {  	v14 =	vadd.f32 $1.000000000e+00, v58  }
0x1bb: {  	v4 =	vmul.f32 $1.442695020e+00, v4  }
0x1bc: {  	v59 =	vld [tilespmem:$0x8F0];
	(erf) = vrcp.f32 v14  }
0x1bd: {  	v15 =	vld [tilespmem:$0x10F0];
	(erf) = vpow2.f32 v4;
	_ =	sdelay $0x1  }
0x1be: {  	v60 =	vld [tilespmem:$0xCF0];
	_ =	sdelay $0x2  }
0x1bf: {  	v14 =	vadd.f32 v15, v59;
	_ =	sdelay $0x1  }
0x1c0: {  	v4 =	vsub.f32 v60, v14  }
0x1c1: {  	v61 =	vpop (erf)  }
0x1c2: {  	v4 =	vadd.f32 $0.0e+00, v4;
	v62 =	vpop (erf)  }
0x1c3: {  	v15 =	vadd.f32 $1.000000000e+00, v62  }
0x1c4: {  	v4 =	vmul.f32 $1.442695020e+00, v4  }
0x1c5: {  	(erf) = vrcp.f32 v15  }
0x1c6: {  	(erf) = vpow2.f32 v4;
	_ =	sdelay $0x6  }
0x1c7: {  	[tilespmem:$0x1280] =	vst v0  }
0x1c8: {  	[tilespmem:$0x1480] =	vst v63;
	v63 =	vpop (erf)  }
0x1c9: {  	[tilespmem:$0x1290] =	vst v2;
	v4 =	vpop (erf)  }
0x1ca: {  	[tilespmem:$0x1490] =	vst v3;
	v1 =	vadd.f32 $1.000000000e+00, v4  }
0x1cb: {  	[tilespmem:$0x12A0] =	vst v22  }
0x1cc: {  	[tilespmem:$0x14A0] =	vst v27;
	(erf) = vrcp.f32 v1  }
0x1cd: {  	[tilespmem:$0x12B0] =	vst v32  }
0x1ce: {  	[tilespmem:$0x14B0] =	vst v37  }
0x1cf: {  	[tilespmem:$0x12C0] =	vst v41  }
0x1d0: {  	[tilespmem:$0x14C0] =	vst v45  }
0x1d1: {  	[tilespmem:$0x12D0] =	vst v49  }
0x1d2: {  	[tilespmem:$0x14D0] =	vst v53  }
0x1d3: {  	[tilespmem:$0x12E0] =	vst v57  }
0x1d4: {  	[tilespmem:$0x14E0] =	vst v61  }
0x1d5: {  	[tilespmem:$0x12F0] =	vst v63;
	v7 =	vpop (erf)  }
0x1d6: {  	s19 =	rddreg [dreg:$0xb];
	[tilespmem:$0x14F0] =	vst v7  }
0x1d7: {  	[hbm4b:s19+s3] =	stream.linear.scatter [tilespmem:s26], [sflag:$0x2], $0x80, $0x38;
	[tilespmem:$0x1600] =	vst v63  }
0x1d8: {  	_ =	swait.ge [sflag:s8], $0x80  }
0x1d9: {  	[sflag:s8] =	ssyncset.done $0x0  }
0x1da: {  	s19 =	rddreg [dreg:$0xc];
	[sflag:s8] =	ssyncadd.s32 $0xFFFFFF80  }
0x1db: {  	[hbm4b:s19+s3] =	stream.linear.scatter [tilespmem:s28], [sflag:$0x2], $0x80, $0x38;
	[tilespmem:$0x1600] =	vst v63  }
0x1dc: {  	_ =	swait.ge [sflag:s8], $0x80  }
0x1dd: {  	[sflag:s8] =	ssyncset.done $0x0  }
0x1de: {  	[sflag:s8] =	ssyncadd.s32 $0xFFFFFF80  }
0x1df: {  	_ =	swait.ge [sflag:s23], $0x80  }
0x1e0: {  	[sflag:s23] =	ssyncset.done $0x0  }
0x1e1: {  	[sflag:s23] =	ssyncadd.s32 $0xFFFFFF80  }
0x1e2: {  	_ =	swait.ge [sflag:s23], $0x80  }
0x1e3: {  	[sflag:s23] =	ssyncset.done $0x0  }
0x1e4: {  	[sflag:s23] =	ssyncadd.s32 $0xFFFFFF80  }
0x1e5: {  	_ =	swait.ge [sflag:s23], $0x80  }
0x1e6: {  	[sflag:s23] =	ssyncset.done $0x0  }
0x1e7: {  	[sflag:s23] =	ssyncadd.s32 $0xFFFFFF80  }
0x1e8: {  	_ =	swait.ge [sflag:s23], $0x80  }
0x1e9: {  	[sflag:s23] =	ssyncset.done $0x0  }
0x1ea: {  	[sflag:s23] =	ssyncadd.s32 $0xFFFFFF80  }
0x1eb: {  	_ =	swait.ge [sflag:s23], $0x80  }
0x1ec: {  	[sflag:s23] =	ssyncset.done $0x0  }
0x1ed: {  	[sflag:s23] =	ssyncadd.s32 $0xFFFFFF80  }
0x1ee: {  	_ =	swait.ge [sflag:s23], $0x80  }
0x1ef: {  	[sflag:s23] =	ssyncset.done $0x0  }
0x1f0: {  	[sflag:s23] =	ssyncadd.s32 $0xFFFFFF80  }
0x1f1: {  	v8 =	vld [tilespmem:$0x700]  }
0x1f2: {  	v9 =	vld [tilespmem:$0xF00];
	_ =	sdelay $0x1  }
0x1f3: {  	v10 =	vld [tilespmem:$0xB00];
	_ =	sdelay $0x2  }
0x1f4: {  	v0 =	vadd.f32 v9, v8;
	_ =	sdelay $0x1  }
0x1f5: {  	v0 =	vsub.f32 v10, v0;
	_ =	sdelay $0x1  }
0x1f6: {  	v0 =	vadd.f32 $0.0e+00, v0;
	_ =	sdelay $0x1  }
0x1f7: {  	v0 =	vmul.f32 $1.442695020e+00, v0  }
0x1f8: {  	v11 =	vld [tilespmem:$0x900]  }
0x1f9: {  	v12 =	vld [tilespmem:$0x1100];
	(erf) = vpow2.f32 v0;
	_ =	sdelay $0x1  }
0x1fa: {  	v13 =	vld [tilespmem:$0xD00];
	_ =	sdelay $0x2  }
0x1fb: {  	v1 =	vadd.f32 v12, v11;
	_ =	sdelay $0x1  }
0x1fc: {  	v0 =	vsub.f32 v13, v1;
	_ =	sdelay $0x1  }
0x1fd: {  	v0 =	vadd.f32 $0.0e+00, v0;
	v14 =	vpop (erf)  }
0x1fe: {  	v1 =	vadd.f32 $1.000000000e+00, v14  }
0x1ff: {  	v15 =	vld [tilespmem:$0x710];
	v0 =	vmul.f32 $1.442695020e+00, v0  }
0x200: {  	v16 =	vld [tilespmem:$0xF10];
	(erf) = vrcp.f32 v1  }
0x201: {  	(erf) = vpow2.f32 v0;
	_ =	sdelay $0x1  }
0x202: {  	v17 =	vld [tilespmem:$0xB10];
	_ =	sdelay $0x1  }
0x203: {  	v0 =	vadd.f32 v16, v15;
	_ =	sdelay $0x2  }
0x204: {  	v1 =	vsub.f32 v17, v0  }
0x205: {  	v0 =	vpop (erf)  }
0x206: {  	v1 =	vadd.f32 $0.0e+00, v1;
	v18 =	vpop (erf)  }
0x207: {  	v2 =	vadd.f32 $1.000000000e+00, v18  }
0x208: {  	v1 =	vmul.f32 $1.442695020e+00, v1  }
0x209: {  	v19 =	vld [tilespmem:$0x910];
	(erf) = vrcp.f32 v2  }
0x20a: {  	v20 =	vld [tilespmem:$0x1110];
	(erf) = vpow2.f32 v1;
	_ =	sdelay $0x1  }
0x20b: {  	v21 =	vld [tilespmem:$0xD10];
	_ =	sdelay $0x2  }
0x20c: {  	v2 =	vadd.f32 v20, v19;
	_ =	sdelay $0x1  }
0x20d: {  	v2 =	vsub.f32 v21, v2  }
0x20e: {  	v1 =	vpop (erf)  }
0x20f: {  	v2 =	vadd.f32 $0.0e+00, v2;
	v22 =	vpop (erf)  }
0x210: {  	v3 =	vadd.f32 $1.000000000e+00, v22  }
0x211: {  	v23 =	vld [tilespmem:$0x720];
	v2 =	vmul.f32 $1.442695020e+00, v2  }
0x212: {  	v24 =	vld [tilespmem:$0xF20];
	(erf) = vrcp.f32 v3  }
0x213: {  	(erf) = vpow2.f32 v2;
	_ =	sdelay $0x1  }
0x214: {  	v25 =	vld [tilespmem:$0xB20];
	_ =	sdelay $0x1  }
0x215: {  	v2 =	vadd.f32 v24, v23;
	_ =	sdelay $0x2  }
0x216: {  	v3 =	vsub.f32 v25, v2  }
0x217: {  	v2 =	vpop (erf)  }
0x218: {  	v3 =	vadd.f32 $0.0e+00, v3;
	v26 =	vpop (erf)  }
0x219: {  	v4 =	vadd.f32 $1.000000000e+00, v26  }
0x21a: {  	v3 =	vmul.f32 $1.442695020e+00, v3  }
0x21b: {  	v27 =	vld [tilespmem:$0x920];
	(erf) = vrcp.f32 v4  }
0x21c: {  	v28 =	vld [tilespmem:$0x1120];
	(erf) = vpow2.f32 v3;
	_ =	sdelay $0x1  }
0x21d: {  	v29 =	vld [tilespmem:$0xD20];
	_ =	sdelay $0x2  }
0x21e: {  	v4 =	vadd.f32 v28, v27;
	_ =	sdelay $0x1  }
0x21f: {  	v4 =	vsub.f32 v29, v4  }
0x220: {  	v3 =	vpop (erf)  }
0x221: {  	v4 =	vadd.f32 $0.0e+00, v4;
	v30 =	vpop (erf)  }
0x222: {  	v5 =	vadd.f32 $1.000000000e+00, v30  }
0x223: {  	v4 =	vmul.f32 $1.442695020e+00, v4  }
0x224: {  	v31 =	vld [tilespmem:$0x730];
	(erf) = vrcp.f32 v5  }
0x225: {  	v32 =	vld [tilespmem:$0xF30];
	(erf) = vpow2.f32 v4;
	_ =	sdelay $0x1  }
0x226: {  	v33 =	vld [tilespmem:$0xB30];
	_ =	sdelay $0x2  }
0x227: {  	v4 =	vadd.f32 v32, v31;
	_ =	sdelay $0x1  }
0x228: {  	v4 =	vsub.f32 v33, v4  }
0x229: {  	v5 =	vpop (erf)  }
0x22a: {  	v4 =	vadd.f32 $0.0e+00, v4;
	v34 =	vpop (erf)  }
0x22b: {  	v6 =	vadd.f32 $1.000000000e+00, v34  }
0x22c: {  	v4 =	vmul.f32 $1.442695020e+00, v4  }
0x22d: {  	v35 =	vld [tilespmem:$0x930];
	(erf) = vrcp.f32 v6  }
0x22e: {  	v36 =	vld [tilespmem:$0x1130];
	(erf) = vpow2.f32 v4;
	_ =	sdelay $0x1  }
0x22f: {  	v37 =	vld [tilespmem:$0xD30];
	_ =	sdelay $0x2  }
0x230: {  	v6 =	vadd.f32 v36, v35;
	_ =	sdelay $0x1  }
0x231: {  	v4 =	vsub.f32 v37, v6  }
0x232: {  	v38 =	vpop (erf)  }
0x233: {  	v4 =	vadd.f32 $0.0e+00, v4;
	v39 =	vpop (erf)  }
0x234: {  	v7 =	vadd.f32 $1.000000000e+00, v39  }
0x235: {  	v4 =	vmul.f32 $1.442695020e+00, v4  }
0x236: {  	v40 =	vld [tilespmem:$0x740];
	(erf) = vrcp.f32 v7  }
0x237: {  	v41 =	vld [tilespmem:$0xF40];
	(erf) = vpow2.f32 v4;
	_ =	sdelay $0x1  }
0x238: {  	v42 =	vld [tilespmem:$0xB40];
	_ =	sdelay $0x2  }
0x239: {  	v4 =	vadd.f32 v41, v40;
	_ =	sdelay $0x1  }
0x23a: {  	v4 =	vsub.f32 v42, v4  }
0x23b: {  	v43 =	vpop (erf)  }
0x23c: {  	v4 =	vadd.f32 $0.0e+00, v4;
	v44 =	vpop (erf)  }
0x23d: {  	v8 =	vadd.f32 $1.000000000e+00, v44  }
0x23e: {  	v4 =	vmul.f32 $1.442695020e+00, v4  }
0x23f: {  	v45 =	vld [tilespmem:$0x940];
	(erf) = vrcp.f32 v8  }
0x240: {  	v46 =	vld [tilespmem:$0x1140];
	(erf) = vpow2.f32 v4;
	_ =	sdelay $0x1  }
0x241: {  	v47 =	vld [tilespmem:$0xD40];
	_ =	sdelay $0x2  }
0x242: {  	v8 =	vadd.f32 v46, v45;
	_ =	sdelay $0x1  }
0x243: {  	v4 =	vsub.f32 v47, v8  }
0x244: {  	v48 =	vpop (erf)  }
0x245: {  	v4 =	vadd.f32 $0.0e+00, v4;
	v49 =	vpop (erf)  }
0x246: {  	v9 =	vadd.f32 $1.000000000e+00, v49  }
0x247: {  	v4 =	vmul.f32 $1.442695020e+00, v4  }
0x248: {  	v50 =	vld [tilespmem:$0x750];
	(erf) = vrcp.f32 v9  }
0x249: {  	v51 =	vld [tilespmem:$0xF50];
	(erf) = vpow2.f32 v4;
	_ =	sdelay $0x1  }
0x24a: {  	v52 =	vld [tilespmem:$0xB50];
	_ =	sdelay $0x2  }
0x24b: {  	v4 =	vadd.f32 v51, v50;
	_ =	sdelay $0x1  }
0x24c: {  	v4 =	vsub.f32 v52, v4  }
0x24d: {  	v53 =	vpop (erf)  }
0x24e: {  	v4 =	vadd.f32 $0.0e+00, v4;
	v54 =	vpop (erf)  }
0x24f: {  	v10 =	vadd.f32 $1.000000000e+00, v54  }
0x250: {  	v4 =	vmul.f32 $1.442695020e+00, v4  }
0x251: {  	v55 =	vld [tilespmem:$0x950];
	(erf) = vrcp.f32 v10  }
0x252: {  	v56 =	vld [tilespmem:$0x1150];
	(erf) = vpow2.f32 v4;
	_ =	sdelay $0x1  }
0x253: {  	v57 =	vld [tilespmem:$0xD50];
	_ =	sdelay $0x2  }
0x254: {  	v10 =	vadd.f32 v56, v55;
	_ =	sdelay $0x1  }
0x255: {  	v4 =	vsub.f32 v57, v10  }
0x256: {  	v58 =	vpop (erf)  }
0x257: {  	v4 =	vadd.f32 $0.0e+00, v4;
	v59 =	vpop (erf)  }
0x258: {  	v11 =	vadd.f32 $1.000000000e+00, v59  }
0x259: {  	v4 =	vmul.f32 $1.442695020e+00, v4  }
0x25a: {  	v60 =	vld [tilespmem:$0x760];
	(erf) = vrcp.f32 v11  }
0x25b: {  	v61 =	vld [tilespmem:$0xF60];
	(erf) = vpow2.f32 v4;
	_ =	sdelay $0x1  }
0x25c: {  	v62 =	vld [tilespmem:$0xB60];
	_ =	sdelay $0x2  }
0x25d: {  	v4 =	vadd.f32 v61, v60;
	_ =	sdelay $0x1  }
0x25e: {  	v4 =	vsub.f32 v62, v4  }
0x25f: {  	v63 =	vpop (erf)  }
0x260: {  	v4 =	vadd.f32 $0.0e+00, v4;
	v18 =	vpop (erf)  }
0x261: {  	v12 =	vadd.f32 $1.000000000e+00, v18  }
0x262: {  	v4 =	vmul.f32 $1.442695020e+00, v4  }
0x263: {  	v19 =	vld [tilespmem:$0x960];
	(erf) = vrcp.f32 v12  }
0x264: {  	v20 =	vld [tilespmem:$0x1160];
	(erf) = vpow2.f32 v4;
	_ =	sdelay $0x1  }
0x265: {  	v21 =	vld [tilespmem:$0xD60];
	_ =	sdelay $0x2  }
0x266: {  	v12 =	vadd.f32 v20, v19;
	_ =	sdelay $0x1  }
0x267: {  	v4 =	vsub.f32 v21, v12  }
0x268: {  	v22 =	vpop (erf)  }
0x269: {  	v4 =	vadd.f32 $0.0e+00, v4;
	v23 =	vpop (erf)  }
0x26a: {  	v13 =	vadd.f32 $1.000000000e+00, v23  }
0x26b: {  	v4 =	vmul.f32 $1.442695020e+00, v4  }
0x26c: {  	v24 =	vld [tilespmem:$0x770];
	(erf) = vrcp.f32 v13  }
0x26d: {  	v25 =	vld [tilespmem:$0xF70];
	(erf) = vpow2.f32 v4;
	_ =	sdelay $0x1  }
0x26e: {  	v26 =	vld [tilespmem:$0xB70];
	_ =	sdelay $0x2  }
0x26f: {  	v4 =	vadd.f32 v25, v24;
	_ =	sdelay $0x1  }
0x270: {  	v4 =	vsub.f32 v26, v4  }
0x271: {  	v27 =	vpop (erf)  }
0x272: {  	v4 =	vadd.f32 $0.0e+00, v4;
	v28 =	vpop (erf)  }
0x273: {  	v14 =	vadd.f32 $1.000000000e+00, v28  }
0x274: {  	v4 =	vmul.f32 $1.442695020e+00, v4  }
0x275: {  	v29 =	vld [tilespmem:$0x970];
	(erf) = vrcp.f32 v14  }
0x276: {  	v30 =	vld [tilespmem:$0x1170];
	(erf) = vpow2.f32 v4;
	_ =	sdelay $0x1  }
0x277: {  	v31 =	vld [tilespmem:$0xD70];
	_ =	sdelay $0x2  }
0x278: {  	v14 =	vadd.f32 v30, v29;
	_ =	sdelay $0x1  }
0x279: {  	v4 =	vsub.f32 v31, v14  }
0x27a: {  	v32 =	vpop (erf)  }
0x27b: {  	v4 =	vadd.f32 $0.0e+00, v4;
	v33 =	vpop (erf)  }
0x27c: {  	v15 =	vadd.f32 $1.000000000e+00, v33  }
0x27d: {  	v4 =	vmul.f32 $1.442695020e+00, v4  }
0x27e: {  	(erf) = vrcp.f32 v15  }
0x27f: {  	(erf) = vpow2.f32 v4;
	_ =	sdelay $0x6  }
0x280: {  	[tilespmem:$0x1300] =	vst v0  }
0x281: {  	[tilespmem:$0x1500] =	vst v1;
	v34 =	vpop (erf)  }
0x282: {  	[tilespmem:$0x1310] =	vst v2;
	v35 =	vpop (erf)  }
0x283: {  	[tilespmem:$0x1510] =	vst v3;
	v1 =	vadd.f32 $1.000000000e+00, v35  }
0x284: {  	[tilespmem:$0x1320] =	vst v5  }
0x285: {  	[tilespmem:$0x1520] =	vst v38;
	(erf) = vrcp.f32 v1  }
0x286: {  	[tilespmem:$0x1330] =	vst v43  }
0x287: {  	[tilespmem:$0x1530] =	vst v48  }
0x288: {  	[tilespmem:$0x1340] =	vst v53  }
0x289: {  	[tilespmem:$0x1540] =	vst v58  }
0x28a: {  	[tilespmem:$0x1350] =	vst v63  }
0x28b: {  	[tilespmem:$0x1550] =	vst v22  }
0x28c: {  	[tilespmem:$0x1360] =	vst v27  }
0x28d: {  	[tilespmem:$0x1560] =	vst v32  }
0x28e: {  	[tilespmem:$0x1370] =	vst v34;
	v36 =	vpop (erf)  }
0x28f: {  	s19 =	rddreg [dreg:$0xd];
	[tilespmem:$0x1570] =	vst v36  }
0x290: {  	[hbm4b:s19+s3] =	stream.linear.scatter [tilespmem:s29], [sflag:$0x2], $0x80, $0x38;
	[tilespmem:$0x1600] =	vst v63  }
0x291: {  	_ =	swait.ge [sflag:s8], $0x80  }
0x292: {  	[sflag:s8] =	ssyncset.done $0x0  }
0x293: {  	s19 =	rddreg [dreg:$0xe];
	[sflag:s8] =	ssyncadd.s32 $0xFFFFFF80  }
0x294: {  	[hbm4b:s19+s3] =	stream.linear.scatter [tilespmem:s30], [sflag:$0x2], $0x80, $0x38;
	[tilespmem:$0x1600] =	vst v63  }
0x295: {  	_ =	swait.ge [sflag:s8], $0x80  }
0x296: {  	[sflag:s8] =	ssyncset.done $0x0  }
0x297: {  	[sflag:s8] =	ssyncadd.s32 $0xFFFFFF80  }
0x298: {  	_ =	swait.ge [sflag:s23], $0x80  }
0x299: {  	[sflag:s23] =	ssyncset.done $0x0  }
0x29a: {  	[sflag:s23] =	ssyncadd.s32 $0xFFFFFF80  }
0x29b: {  	_ =	swait.ge [sflag:s23], $0x80  }
0x29c: {  	[sflag:s23] =	ssyncset.done $0x0  }
0x29d: {  	[sflag:s23] =	ssyncadd.s32 $0xFFFFFF80  }
0x29e: {  	_ =	swait.ge [sflag:s23], $0x80  }
0x29f: {  	[sflag:s23] =	ssyncset.done $0x0  }
0x2a0: {  	[sflag:s23] =	ssyncadd.s32 $0xFFFFFF80  }
0x2a1: {  	_ =	swait.ge [sflag:s23], $0x80  }
0x2a2: {  	[sflag:s23] =	ssyncset.done $0x0  }
0x2a3: {  	[sflag:s23] =	ssyncadd.s32 $0xFFFFFF80  }
0x2a4: {  	_ =	swait.ge [sflag:s23], $0x80  }
0x2a5: {  	[sflag:s23] =	ssyncset.done $0x0  }
0x2a6: {  	[sflag:s23] =	ssyncadd.s32 $0xFFFFFF80  }
0x2a7: {  	_ =	swait.ge [sflag:s23], $0x80  }
0x2a8: {  	[sflag:s23] =	ssyncset.done $0x0  }
0x2a9: {  	[sflag:s23] =	ssyncadd.s32 $0xFFFFFF80  }
0x2aa: {  	v37 =	vld [tilespmem:$0x780]  }
0x2ab: {  	v38 =	vld [tilespmem:$0xF80];
	_ =	sdelay $0x1  }
0x2ac: {  	v39 =	vld [tilespmem:$0xB80];
	_ =	sdelay $0x2  }
0x2ad: {  	v0 =	vadd.f32 v38, v37;
	_ =	sdelay $0x1  }
0x2ae: {  	v0 =	vsub.f32 v39, v0;
	_ =	sdelay $0x1  }
0x2af: {  	v0 =	vadd.f32 $0.0e+00, v0;
	_ =	sdelay $0x1  }
0x2b0: {  	v0 =	vmul.f32 $1.442695020e+00, v0  }
0x2b1: {  	v40 =	vld [tilespmem:$0x980]  }
0x2b2: {  	v41 =	vld [tilespmem:$0x1180];
	(erf) = vpow2.f32 v0;
	_ =	sdelay $0x1  }
0x2b3: {  	v42 =	vld [tilespmem:$0xD80];
	_ =	sdelay $0x2  }
0x2b4: {  	v1 =	vadd.f32 v41, v40;
	_ =	sdelay $0x1  }
0x2b5: {  	v0 =	vsub.f32 v42, v1;
	_ =	sdelay $0x1  }
0x2b6: {  	v0 =	vadd.f32 $0.0e+00, v0;
	v43 =	vpop (erf)  }
0x2b7: {  	v1 =	vadd.f32 $1.000000000e+00, v43  }
0x2b8: {  	v44 =	vld [tilespmem:$0x790];
	v0 =	vmul.f32 $1.442695020e+00, v0  }
0x2b9: {  	v45 =	vld [tilespmem:$0xF90];
	(erf) = vrcp.f32 v1  }
0x2ba: {  	(erf) = vpow2.f32 v0;
	_ =	sdelay $0x1  }
0x2bb: {  	v46 =	vld [tilespmem:$0xB90];
	_ =	sdelay $0x1  }
0x2bc: {  	v0 =	vadd.f32 v45, v44;
	_ =	sdelay $0x2  }
0x2bd: {  	v1 =	vsub.f32 v46, v0  }
0x2be: {  	v0 =	vpop (erf)  }
0x2bf: {  	v1 =	vadd.f32 $0.0e+00, v1;
	v47 =	vpop (erf)  }
0x2c0: {  	v2 =	vadd.f32 $1.000000000e+00, v47  }
0x2c1: {  	v1 =	vmul.f32 $1.442695020e+00, v1  }
0x2c2: {  	v48 =	vld [tilespmem:$0x990];
	(erf) = vrcp.f32 v2  }
0x2c3: {  	v49 =	vld [tilespmem:$0x1190];
	(erf) = vpow2.f32 v1;
	_ =	sdelay $0x1  }
0x2c4: {  	v50 =	vld [tilespmem:$0xD90];
	_ =	sdelay $0x2  }
0x2c5: {  	v2 =	vadd.f32 v49, v48;
	_ =	sdelay $0x1  }
0x2c6: {  	v2 =	vsub.f32 v50, v2  }
0x2c7: {  	v1 =	vpop (erf)  }
0x2c8: {  	v2 =	vadd.f32 $0.0e+00, v2;
	v51 =	vpop (erf)  }
0x2c9: {  	v3 =	vadd.f32 $1.000000000e+00, v51  }
0x2ca: {  	v52 =	vld [tilespmem:$0x7A0];
	v2 =	vmul.f32 $1.442695020e+00, v2  }
0x2cb: {  	v53 =	vld [tilespmem:$0xFA0];
	(erf) = vrcp.f32 v3  }
0x2cc: {  	(erf) = vpow2.f32 v2;
	_ =	sdelay $0x1  }
0x2cd: {  	v54 =	vld [tilespmem:$0xBA0];
	_ =	sdelay $0x1  }
0x2ce: {  	v2 =	vadd.f32 v53, v52;
	_ =	sdelay $0x2  }
0x2cf: {  	v3 =	vsub.f32 v54, v2  }
0x2d0: {  	v2 =	vpop (erf)  }
0x2d1: {  	v3 =	vadd.f32 $0.0e+00, v3;
	v55 =	vpop (erf)  }
0x2d2: {  	v4 =	vadd.f32 $1.000000000e+00, v55  }
0x2d3: {  	v3 =	vmul.f32 $1.442695020e+00, v3  }
0x2d4: {  	v56 =	vld [tilespmem:$0x9A0];
	(erf) = vrcp.f32 v4  }
0x2d5: {  	v57 =	vld [tilespmem:$0x11A0];
	(erf) = vpow2.f32 v3;
	_ =	sdelay $0x1  }
0x2d6: {  	v58 =	vld [tilespmem:$0xDA0];
	_ =	sdelay $0x2  }
0x2d7: {  	v4 =	vadd.f32 v57, v56;
	_ =	sdelay $0x1  }
0x2d8: {  	v4 =	vsub.f32 v58, v4  }
0x2d9: {  	v3 =	vpop (erf)  }
0x2da: {  	v4 =	vadd.f32 $0.0e+00, v4;
	v59 =	vpop (erf)  }
0x2db: {  	v5 =	vadd.f32 $1.000000000e+00, v59  }
0x2dc: {  	v4 =	vmul.f32 $1.442695020e+00, v4  }
0x2dd: {  	v60 =	vld [tilespmem:$0x7B0];
	(erf) = vrcp.f32 v5  }
0x2de: {  	v61 =	vld [tilespmem:$0xFB0];
	(erf) = vpow2.f32 v4;
	_ =	sdelay $0x1  }
0x2df: {  	v62 =	vld [tilespmem:$0xBB0];
	_ =	sdelay $0x2  }
0x2e0: {  	v4 =	vadd.f32 v61, v60;
	_ =	sdelay $0x1  }
0x2e1: {  	v4 =	vsub.f32 v62, v4  }
0x2e2: {  	v63 =	vpop (erf)  }
0x2e3: {  	v4 =	vadd.f32 $0.0e+00, v4;
	v15 =	vpop (erf)  }
0x2e4: {  	v6 =	vadd.f32 $1.000000000e+00, v15  }
0x2e5: {  	v4 =	vmul.f32 $1.442695020e+00, v4  }
0x2e6: {  	v16 =	vld [tilespmem:$0x9B0];
	(erf) = vrcp.f32 v6  }
0x2e7: {  	v17 =	vld [tilespmem:$0x11B0];
	(erf) = vpow2.f32 v4;
	_ =	sdelay $0x1  }
0x2e8: {  	v18 =	vld [tilespmem:$0xDB0];
	_ =	sdelay $0x2  }
0x2e9: {  	v6 =	vadd.f32 v17, v16;
	_ =	sdelay $0x1  }
0x2ea: {  	v4 =	vsub.f32 v18, v6  }
0x2eb: {  	v19 =	vpop (erf)  }
0x2ec: {  	v4 =	vadd.f32 $0.0e+00, v4;
	v20 =	vpop (erf)  }
0x2ed: {  	v7 =	vadd.f32 $1.000000000e+00, v20  }
0x2ee: {  	v4 =	vmul.f32 $1.442695020e+00, v4  }
0x2ef: {  	v21 =	vld [tilespmem:$0x7C0];
	(erf) = vrcp.f32 v7  }
0x2f0: {  	v22 =	vld [tilespmem:$0xFC0];
	(erf) = vpow2.f32 v4;
	_ =	sdelay $0x1  }
0x2f1: {  	v23 =	vld [tilespmem:$0xBC0];
	_ =	sdelay $0x2  }
0x2f2: {  	v4 =	vadd.f32 v22, v21;
	_ =	sdelay $0x1  }
0x2f3: {  	v4 =	vsub.f32 v23, v4  }
0x2f4: {  	v24 =	vpop (erf)  }
0x2f5: {  	v4 =	vadd.f32 $0.0e+00, v4;
	v25 =	vpop (erf)  }
0x2f6: {  	v8 =	vadd.f32 $1.000000000e+00, v25  }
0x2f7: {  	v4 =	vmul.f32 $1.442695020e+00, v4  }
0x2f8: {  	v26 =	vld [tilespmem:$0x9C0];
	(erf) = vrcp.f32 v8  }
0x2f9: {  	v27 =	vld [tilespmem:$0x11C0];
	(erf) = vpow2.f32 v4;
	_ =	sdelay $0x1  }
0x2fa: {  	v28 =	vld [tilespmem:$0xDC0];
	_ =	sdelay $0x2  }
0x2fb: {  	v8 =	vadd.f32 v27, v26;
	_ =	sdelay $0x1  }
0x2fc: {  	v4 =	vsub.f32 v28, v8  }
0x2fd: {  	v29 =	vpop (erf)  }
0x2fe: {  	v4 =	vadd.f32 $0.0e+00, v4;
	v30 =	vpop (erf)  }
0x2ff: {  	v9 =	vadd.f32 $1.000000000e+00, v30  }
0x300: {  	v4 =	vmul.f32 $1.442695020e+00, v4  }
0x301: {  	v31 =	vld [tilespmem:$0x7D0];
	(erf) = vrcp.f32 v9  }
0x302: {  	v32 =	vld [tilespmem:$0xFD0];
	(erf) = vpow2.f32 v4;
	_ =	sdelay $0x1  }
0x303: {  	v33 =	vld [tilespmem:$0xBD0];
	_ =	sdelay $0x2  }
0x304: {  	v4 =	vadd.f32 v32, v31;
	_ =	sdelay $0x1  }
0x305: {  	v4 =	vsub.f32 v33, v4  }
0x306: {  	v34 =	vpop (erf)  }
0x307: {  	v4 =	vadd.f32 $0.0e+00, v4;
	v35 =	vpop (erf)  }
0x308: {  	v10 =	vadd.f32 $1.000000000e+00, v35  }
0x309: {  	v4 =	vmul.f32 $1.442695020e+00, v4  }
0x30a: {  	v36 =	vld [tilespmem:$0x9D0];
	(erf) = vrcp.f32 v10  }
0x30b: {  	v37 =	vld [tilespmem:$0x11D0];
	(erf) = vpow2.f32 v4;
	_ =	sdelay $0x1  }
0x30c: {  	v38 =	vld [tilespmem:$0xDD0];
	_ =	sdelay $0x2  }
0x30d: {  	v10 =	vadd.f32 v37, v36;
	_ =	sdelay $0x1  }
0x30e: {  	v4 =	vsub.f32 v38, v10  }
0x30f: {  	v39 =	vpop (erf)  }
0x310: {  	v4 =	vadd.f32 $0.0e+00, v4;
	v40 =	vpop (erf)  }
0x311: {  	v11 =	vadd.f32 $1.000000000e+00, v40  }
0x312: {  	v4 =	vmul.f32 $1.442695020e+00, v4  }
0x313: {  	v41 =	vld [tilespmem:$0x7E0];
	(erf) = vrcp.f32 v11  }
0x314: {  	v42 =	vld [tilespmem:$0xFE0];
	(erf) = vpow2.f32 v4;
	_ =	sdelay $0x1  }
0x315: {  	v43 =	vld [tilespmem:$0xBE0];
	_ =	sdelay $0x2  }
0x316: {  	v4 =	vadd.f32 v42, v41;
	_ =	sdelay $0x1  }
0x317: {  	v4 =	vsub.f32 v43, v4  }
0x318: {  	v44 =	vpop (erf)  }
0x319: {  	v4 =	vadd.f32 $0.0e+00, v4;
	v45 =	vpop (erf)  }
0x31a: {  	v12 =	vadd.f32 $1.000000000e+00, v45  }
0x31b: {  	v4 =	vmul.f32 $1.442695020e+00, v4  }
0x31c: {  	v46 =	vld [tilespmem:$0x9E0];
	(erf) = vrcp.f32 v12  }
0x31d: {  	v47 =	vld [tilespmem:$0x11E0];
	(erf) = vpow2.f32 v4;
	_ =	sdelay $0x1  }
0x31e: {  	v48 =	vld [tilespmem:$0xDE0];
	_ =	sdelay $0x2  }
0x31f: {  	v12 =	vadd.f32 v47, v46;
	_ =	sdelay $0x1  }
0x320: {  	v4 =	vsub.f32 v48, v12  }
0x321: {  	v49 =	vpop (erf)  }
0x322: {  	v4 =	vadd.f32 $0.0e+00, v4;
	v50 =	vpop (erf)  }
0x323: {  	v13 =	vadd.f32 $1.000000000e+00, v50  }
0x324: {  	v4 =	vmul.f32 $1.442695020e+00, v4  }
0x325: {  	v51 =	vld [tilespmem:$0x7F0];
	(erf) = vrcp.f32 v13  }
0x326: {  	v52 =	vld [tilespmem:$0xFF0];
	(erf) = vpow2.f32 v4;
	_ =	sdelay $0x1  }
0x327: {  	v53 =	vld [tilespmem:$0xBF0];
	_ =	sdelay $0x2  }
0x328: {  	v4 =	vadd.f32 v52, v51;
	_ =	sdelay $0x1  }
0x329: {  	v4 =	vsub.f32 v53, v4  }
0x32a: {  	v54 =	vpop (erf)  }
0x32b: {  	v4 =	vadd.f32 $0.0e+00, v4;
	v55 =	vpop (erf)  }
0x32c: {  	v14 =	vadd.f32 $1.000000000e+00, v55  }
0x32d: {  	v4 =	vmul.f32 $1.442695020e+00, v4  }
0x32e: {  	v56 =	vld [tilespmem:$0x9F0];
	(erf) = vrcp.f32 v14  }
0x32f: {  	v57 =	vld [tilespmem:$0x11F0];
	(erf) = vpow2.f32 v4;
	_ =	sdelay $0x1  }
0x330: {  	v58 =	vld [tilespmem:$0xDF0];
	_ =	sdelay $0x2  }
0x331: {  	v14 =	vadd.f32 v57, v56;
	_ =	sdelay $0x1  }
0x332: {  	v4 =	vsub.f32 v58, v14  }
0x333: {  	v59 =	vpop (erf)  }
0x334: {  	v4 =	vadd.f32 $0.0e+00, v4;
	v60 =	vpop (erf)  }
0x335: {  	v15 =	vadd.f32 $1.000000000e+00, v60  }
0x336: {  	v4 =	vmul.f32 $1.442695020e+00, v4  }
0x337: {  	(erf) = vrcp.f32 v15  }
0x338: {  	(erf) = vpow2.f32 v4;
	_ =	sdelay $0x6  }
0x339: {  	[tilespmem:$0x1380] =	vst v0  }
0x33a: {  	[tilespmem:$0x1580] =	vst v1;
	v61 =	vpop (erf)  }
0x33b: {  	[tilespmem:$0x1390] =	vst v2;
	v62 =	vpop (erf)  }
0x33c: {  	[tilespmem:$0x1590] =	vst v3;
	v1 =	vadd.f32 $1.000000000e+00, v62  }
0x33d: {  	[tilespmem:$0x13A0] =	vst v63  }
0x33e: {  	[tilespmem:$0x15A0] =	vst v19;
	(erf) = vrcp.f32 v1  }
0x33f: {  	[tilespmem:$0x13B0] =	vst v24  }
0x340: {  	[tilespmem:$0x15B0] =	vst v29  }
0x341: {  	[tilespmem:$0x13C0] =	vst v34  }
0x342: {  	[tilespmem:$0x15C0] =	vst v39  }
0x343: {  	[tilespmem:$0x13D0] =	vst v44  }
0x344: {  	[tilespmem:$0x15D0] =	vst v49  }
0x345: {  	[tilespmem:$0x13E0] =	vst v54  }
0x346: {  	[tilespmem:$0x15E0] =	vst v59  }
0x347: {  	[tilespmem:$0x13F0] =	vst v61;
	v63 =	vpop (erf)  }
0x348: {  	s19 =	rddreg [dreg:$0xf];
	[tilespmem:$0x15F0] =	vst v63  }
0x349: {  	[hbm4b:s19+s3] =	stream.linear.scatter [tilespmem:s31], [sflag:$0x2], $0x80, $0x38;
	[tilespmem:$0x1600] =	vst v63  }
0x34a: {  	_ =	swait.ge [sflag:s8], $0x80  }
0x34b: {  	p0 =	sne.s32 s7, $0x1;
	[sflag:s8] =	ssyncset.done $0x0  }
.Ltmp0:
0x34c: {  	s19 =	rddreg [dreg:$0x10];
	[sflag:s8] =	ssyncadd.s32 $0xFFFFFF80;
	(pc) =	sbr.rel @p0 .LBB2_1-.Ltmp0, $4  }
0x34d: {  	[hbm4b:s19+s3] =	stream.linear.scatter [tilespmem:s0], [sflag:$0x2], $0x80, $0x38;
	[tilespmem:$0x1600] =	vst v63  }
0x34e: {  	_ =	swait.ge [sflag:s8], $0x80  }
0x34f: {  	[sflag:s8] =	ssyncset.done $0x0  }
0x350: {  	s7 =	sadd.s32 $0xFFFFFFFF, s7;
	[sflag:s8] =	ssyncadd.s32 $0xFFFFFF80  }
0x351: {  	_ =	sfence.sel $0x180000  }
0x352: {  	[bflag:$0x0] =	sbarrier.arrive $0xFFFF  }
0x353: {  	_ =	strace $0x90000047  }
0x354: {  	s0 =	stileid.u32;
	[bflag:$0x2] =	sbarrier.arrive $0xFFFF  }
0x355: {  	p0 =	sne.s32 s0, $0x0;
	s0 =	rddreg [dreg:$0x5]  }
0x356: {  	s0 =	sadd.s32 @!p0 $0x100000, s0  }
0x357: {  	[sflag:s0] =	ssyncadd.tile.s32 @!p0 $0x1;
	_ =	shalt  }
.Lfunc_end2:
_tile_overlayer_lowered:
.L_overlay_start_2:
0x358: {  	(tag) =	ssettag $0x2  }
0x359: {  	s0 =	rddreg [dreg:$0x0];
	s2 =	stileid.u32  }
0x35a: {  	s1 =	rddreg [dreg:$0x1];
	p0 =	sne.s32 s2, $0x0  }
0x35b: {  	s3 =	rddreg [dreg:$0x2];
	[bflag:$0x3] =	sbarrier.arrive $0xFFFF;
	s2 =	simm.s32 @!p0 $0x1C02  }
0x35c: {  	[timem:s3], [sflag:s2] =	dma.local @!p0 [hbm:s0], s1  }
0x35d: {  	s0 =	simm.s32 @!p0 $0x2  }
0x35e: {  	_ =	swait.ge @!p0 [sflag:s0], s1  }
0x35f: {  	s1 =	ssub.s32 @!p0 $0x0, s1;
	[sflag:s0] =	ssyncset.done @!p0 $0x0  }
0x360: {  	[sflag:s0] =	ssyncadd.s32 @!p0 s1  }
0x361: {  	[bflag:$0x3] =	sbarrier.arrive $0xFFFF  }
0x362: {  	_ =	shalt  }

</sc_bundles>
